<compile_context>
chip_gen: v7x
topology: tpu7x:2x2x1
jax: 0.10.2.dev20260603
libtpu: 0.0.44.dev20260713+nightly
codegen_flags: <defaults>
</compile_context>

<pallas_src>
import dataclasses
import functools

import jax
import jax.numpy as jnp
from jax import lax
from jax.experimental import pallas as pl
from jax.experimental.pallas import tpu as pltpu
from jax.experimental.pallas import tpu_sc as plsc

N = 10000
E = 320000
D = 128

NC = 2
NS = 16
NW = NC * NS
FPW = D // NW
EPW = E // NW
LANES = 16
K3_CHUNK = 8000

_sc_mesh = plsc.VectorSubcoreMesh(core_axis_name="c", subcore_axis_name="s")

_sc_params = pltpu.CompilerParams()
if "needs_layout_passes" in pltpu.CompilerParams.__dataclass_fields__:
    _sc_params = dataclasses.replace(_sc_params, needs_layout_passes=False)


def _wid():
    return lax.axis_index("c") * NS + lax.axis_index("s")


@functools.partial(
    pl.kernel,
    out_type=jax.ShapeDtypeStruct((NW * N,), jnp.float32),
    mesh=_sc_mesh,
    scratch_types=[
        pltpu.VMEM((EPW,), jnp.int32),
        pltpu.VMEM((EPW,), jnp.float32),
        pltpu.VMEM((N,), jnp.float32),
    ],
    compiler_params=_sc_params,
)
def _k1_deg(dst_hbm, w_hbm, out_hbm, dst_v, w_v, deg_v):
    wid = _wid()
    base = wid * EPW
    pltpu.sync_copy(dst_hbm.at[pl.ds(base, EPW)], dst_v)
    pltpu.sync_copy(w_hbm.at[pl.ds(base, EPW)], w_v)

    zeros = jnp.zeros((LANES,), jnp.float32)

    @pl.loop(0, N, step=LANES)
    def _(i):
        deg_v[pl.ds(i, LANES)] = zeros

    @plsc.parallel_loop(0, EPW, step=LANES, unroll=4)
    def _(i):
        d16 = dst_v[pl.ds(i, LANES)]
        w16 = w_v[pl.ds(i, LANES)]
        plsc.addupdate_scatter(deg_v, [d16], w16)

    pltpu.sync_copy(deg_v, out_hbm.at[pl.ds(wid * N, N)])


def _k2a_body(x_ref, w_ref, xwt_ref):
    xwt_ref[...] = lax.dot_general(
        w_ref[...], x_ref[...],
        dimension_numbers=(((0,), (1,)), ((), ())),
        preferred_element_type=jnp.float32,
    )


def _k2a(x, W2):
    return pl.pallas_call(
        _k2a_body,
        in_specs=[
            pl.BlockSpec((N, D), lambda: (0, 0)),
            pl.BlockSpec((D, D), lambda: (0, 0)),
        ],
        out_specs=pl.BlockSpec((D, N), lambda: (0, 0)),
        out_shape=jax.ShapeDtypeStruct((D, N), jnp.float32),
    )(x, W2)


def _k2b_body(xwt_ref, degp_ref, ytp_ref, dinv_ref):
    deg = 1.0 + jnp.sum(degp_ref[...], axis=0)
    dinv = lax.rsqrt(deg)
    hi = xwt_ref[: D // 2, :] * dinv[None, :]
    lo = xwt_ref[D // 2 :, :] * dinv[None, :]
    hb = lax.convert_element_type(
        lax.bitcast_convert_type(lax.convert_element_type(hi, jnp.bfloat16),
                                 jnp.uint16), jnp.uint32)
    lb = lax.convert_element_type(
        lax.bitcast_convert_type(lax.convert_element_type(lo, jnp.bfloat16),
                                 jnp.uint16), jnp.uint32)
    word = (hb << 16) | lb
    ytp_ref[...] = lax.bitcast_convert_type(word, jnp.int32)
    dinv_ref[...] = dinv[None, :]


def _k2b(xwt2, deg_part):
    return pl.pallas_call(
        _k2b_body,
        in_specs=[
            pl.BlockSpec((D, N), lambda: (0, 0)),
            pl.BlockSpec((NW, N), lambda: (0, 0)),
        ],
        out_specs=[
            pl.BlockSpec((D // 2, N), lambda: (0, 0)),
            pl.BlockSpec((1, N), lambda: (0, 0)),
        ],
        out_shape=[
            jax.ShapeDtypeStruct((D // 2, N), jnp.int32),
            jax.ShapeDtypeStruct((1, N), jnp.float32),
        ],
    )(xwt2, deg_part)


NCH = E // K3_CHUNK


@functools.partial(
    pl.kernel,
    out_type=jax.ShapeDtypeStruct((D * N,), jnp.float32),
    mesh=_sc_mesh,
    scratch_types=[
        pltpu.VMEM((2 * N,), jnp.int32),
        pltpu.VMEM((FPW * N,), jnp.float32),
        pltpu.VMEM((N,), jnp.float32),
        pltpu.VMEM((2 * K3_CHUNK,), jnp.int32),
        pltpu.VMEM((2 * K3_CHUNK,), jnp.float32),
        pltpu.SemaphoreType.DMA,
        pltpu.SemaphoreType.DMA,
        pltpu.SemaphoreType.DMA,
        pltpu.SemaphoreType.DMA,
    ],
    compiler_params=_sc_params,
)
def _k3_msg(ytp_hbm, dinv_hbm, p_hbm, w_hbm, out_hbm,
            ytp_v, acc_v, dinv_v, p_v, w_v, sp0, sw0, sp1, sw1):
    wid = _wid()
    f0 = wid * FPW
    mask_hi = jnp.int32(-65536)

    def start(c, b):
        psem, wsem = (sp0, sw0) if b == 0 else (sp1, sw1)
        pltpu.async_copy(p_hbm.at[pl.ds(c * K3_CHUNK, K3_CHUNK)],
                         p_v.at[pl.ds(b * K3_CHUNK, K3_CHUNK)], psem)
        pltpu.async_copy(w_hbm.at[pl.ds(c * K3_CHUNK, K3_CHUNK)],
                         w_v.at[pl.ds(b * K3_CHUNK, K3_CHUNK)], wsem)

    def wait(b):
        psem, wsem = (sp0, sw0) if b == 0 else (sp1, sw1)
        pltpu.make_async_copy(p_hbm.at[pl.ds(0, K3_CHUNK)],
                              p_v.at[pl.ds(b * K3_CHUNK, K3_CHUNK)], psem).wait()
        pltpu.make_async_copy(w_hbm.at[pl.ds(0, K3_CHUNK)],
                              w_v.at[pl.ds(b * K3_CHUNK, K3_CHUNK)], wsem).wait()

    def process(b):
        base = b * K3_CHUNK

        @plsc.parallel_loop(0, K3_CHUNK, step=LANES, unroll=4)
        def _(i):
            p16 = p_v[pl.ds(base + i, LANES)]
            w16 = w_v[pl.ds(base + i, LANES)]
            s16 = lax.shift_right_logical(p16, 14)
            d16 = p16 & 16383
            for r in range(2):
                wp = plsc.load_gather(ytp_v, [s16 + (r * N)])
                hi = plsc.bitcast(wp & mask_hi, jnp.float32)
                lo = plsc.bitcast(lax.shift_left(wp, 16), jnp.float32)
                plsc.addupdate_scatter(acc_v, [d16 + (2 * r * N)], hi * w16)
                plsc.addupdate_scatter(acc_v, [d16 + ((2 * r + 1) * N)], lo * w16)

    start(0, 0)
    start(1, 1)

    for r in range(2):
        pltpu.sync_copy(ytp_hbm.at[pl.ds((2 * wid + r) * N, N)],
                        ytp_v.at[pl.ds(r * N, N)])
    pltpu.sync_copy(dinv_hbm, dinv_v)

    zeros = jnp.zeros((LANES,), jnp.float32)

    @plsc.parallel_loop(0, FPW * N, step=LANES, unroll=4)
    def _(i):
        acc_v[pl.ds(i, LANES)] = zeros

    @pl.loop(0, NCH - 2, step=2)
    def _(c):
        wait(0)
        process(0)
        start(c + 2, 0)
        wait(1)
        process(1)
        start(c + 3, 1)

    wait(0)
    process(0)
    wait(1)
    process(1)

    @plsc.parallel_loop(0, N, step=LANES, unroll=4)
    def _(i):
        dv = dinv_v[pl.ds(i, LANES)]
        for r in range(2):
            wp = ytp_v[pl.ds(r * N + i, LANES)]
            hi = plsc.bitcast(wp & mask_hi, jnp.float32)
            lo = plsc.bitcast(lax.shift_left(wp, 16), jnp.float32)
            j0 = pl.ds(2 * r * N + i, LANES)
            j1 = pl.ds((2 * r + 1) * N + i, LANES)
            acc_v[j0] = dv * (acc_v[j0] + hi)
            acc_v[j1] = dv * (acc_v[j1] + lo)

    for f in range(FPW):
        pltpu.sync_copy(acc_v.at[pl.ds(f * N, N)], out_hbm.at[pl.ds((f0 + f) * N, N)])


def _k4_body(outt_ref, b_ref, out_ref):
    out_ref[...] = outt_ref[...].T + b_ref[...]


def _k4(out_t, b):
    return pl.pallas_call(
        _k4_body,
        in_specs=[
            pl.BlockSpec((D, N), lambda: (0, 0)),
            pl.BlockSpec((1, D), lambda: (0, 0)),
        ],
        out_specs=pl.BlockSpec((N, D), lambda: (0, 0)),
        out_shape=jax.ShapeDtypeStruct((N, D), jnp.float32),
    )(out_t, b.reshape(1, D))


def kernel(x, edge_index, weight, batch, W, b):
    src = edge_index[0]
    dst = edge_index[1]
    packed = (src << 14) | dst
    W2 = jnp.concatenate([W[:, 0::2], W[:, 1::2]], axis=1)
    deg_part = _k1_deg(dst, weight)
    xwt2 = _k2a(x, W2)
    ytp, dinv = _k2b(xwt2, deg_part.reshape(NW, N))
    out_t = _k3_msg(ytp.reshape(D // 2 * N), dinv.reshape(N), packed, weight)
    return _k4(out_t.reshape(D, N), b)

# --- scband reference (transcript-rebuilt; emitter-appended) ---
"""Pipeline reference for scband-gnn-40175124087238 (READ-ONLY COPY).

The authoritative reference and input builder live on the scoring server;
editing this copy changes nothing except your own understanding.
"""

import jax, jax.numpy as jnp
import numpy as np

N = 10000
E = 320000
D_IN = 128
D_OUT = 128


def setup_inputs(seed: int = 0) -> dict:
    key = jax.random.key(seed)
    k1, k2, k3, k4 = jax.random.split(key, 4)
    x = jax.random.normal(k1, (N, D_IN), dtype=jnp.float32)
    edge_index = jax.random.randint(k2, (2, E), 0, N, dtype=jnp.int32)
    weight = jax.random.uniform(k3, (E,), dtype=jnp.float32)
    batch = jnp.zeros((N,), dtype=jnp.int32)
    # GCNConv learned parameters
    W = jax.random.normal(k4, (D_IN, D_OUT), dtype=jnp.float32) * (1.0 / np.sqrt(D_IN))
    b = jnp.zeros((D_OUT,), dtype=jnp.float32)
    return {"x": x, "edge_index": edge_index, "weight": weight, "batch": batch, "W": W, "b": b}


def reference(x, edge_index, weight, batch, W, b):
    # Single GCNConv layer (self.convs has exactly one conv; the relu loop body
    # never executes and dropout_rate == 0.0 is identity).
    # GCN: out = D^{-1/2} (A + I) D^{-1/2} X W + b, with edge weights.
    n = x.shape[0]
    src = edge_index[0]
    dst = edge_index[1]
    loop = jnp.arange(n, dtype=src.dtype)
    src_f = jnp.concatenate([src, loop])
    dst_f = jnp.concatenate([dst, loop])
    w_f = jnp.concatenate([weight, jnp.ones((n,), dtype=weight.dtype)])
    # weighted degree via scatter-add
    deg = jnp.zeros((n,), dtype=weight.dtype).at[dst_f].add(w_f)
    dinv = jnp.where(deg > 0, jax.lax.rsqrt(jnp.maximum(deg, 1e-12)), 0.0)
    norm = dinv[src_f] * w_f * dinv[dst_f]
    xw = x @ W
    msg = jnp.take(xw, src_f, axis=0) * norm[:, None]
    out = jnp.zeros((n, xw.shape[1]), dtype=xw.dtype).at[dst_f].add(msg)
    return out + b

if __name__ == "__main__":
    import jax
    _d = setup_inputs()
    print(jax.jit(kernel)(*tuple(_d.values())))

</pallas_src>

<mosaic_0001>
#map = affine_map<(d0, d1) -> (0)>
module attributes {stable_mosaic.version = 14 : i64} {
  func.func @_k1_deg(%arg0: i32, %arg1: i32, %arg2: memref<320000xi32, #tpu.memory_space<hbm>>, %arg3: memref<320000xf32, #tpu.memory_space<hbm>>, %arg4: memref<320000xf32, #tpu.memory_space<hbm>>, %arg5: memref<10000xi32, #tpu.memory_space<vmem>>, %arg6: memref<10000xf32, #tpu.memory_space<vmem>>, %arg7: memref<10000xf32, #tpu.memory_space<vmem>>) attributes {dimension_semantics = [#tpu.dimension_semantics<core_parallel>, #tpu.dimension_semantics<subcore_parallel>], iteration_bounds = array<i64: 2, 16>, scalar_prefetch = 0 : i64, scratch_operands = 3 : i64, tpu.core_type = #tpu.core_type<sc_vector_subcore>, window_params = [{transform_indices = #map}, {transform_indices = #map}, {transform_indices = #map}]} {
    %mul3A = arith.constant 16 : i32
    %mul3A_0 = arith.muli %arg0, %mul3A : i32
    %add3A = arith.addi %mul3A_0, %arg1 : i32
    %mul3A_1 = arith.constant 10000 : i32
    %mul3A_2 = arith.muli %add3A, %mul3A_1 : i32
    "tpu.region"() ({
      %run_scoped3A = tpu.sem_alloc : memref<!tpu.dma_semaphore, #tpu.memory_space<semaphore_mem>>
      %dma_start3A = tpu.memref_slice %arg2[%mul3A_2] : memref<320000xi32, #tpu.memory_space<hbm>> -> memref<10000xi32, #tpu.memory_space<hbm>>
      %dma_start3A_12 = tpu.memref_slice %arg2[%mul3A_2] : memref<320000xi32, #tpu.memory_space<hbm>> -> memref<10000xi32, #tpu.memory_space<hbm>>
      tpu.enqueue_dma source(%dma_start3A_12 : memref<10000xi32, #tpu.memory_space<hbm>>) target(%arg5 : memref<10000xi32, #tpu.memory_space<vmem>>) target_semaphore(%run_scoped3A : memref<!tpu.dma_semaphore, #tpu.memory_space<semaphore_mem>>)
      %dma_wait3A = tpu.memref_slice %arg2[%mul3A_2] : memref<320000xi32, #tpu.memory_space<hbm>> -> memref<10000xi32, #tpu.memory_space<hbm>>
      %dma_wait3A_13 = tpu.memref_slice %arg2[%mul3A_2] : memref<320000xi32, #tpu.memory_space<hbm>> -> memref<10000xi32, #tpu.memory_space<hbm>>
      tpu.wait_dma2 semaphore(%run_scoped3A : memref<!tpu.dma_semaphore, #tpu.memory_space<semaphore_mem>>) src(%dma_wait3A_13 : memref<10000xi32, #tpu.memory_space<hbm>>) dst(%arg5 : memref<10000xi32, #tpu.memory_space<vmem>>)
      tpu.yield
    }) : () -> ()
    "tpu.region"() ({
      %run_scoped3A = tpu.sem_alloc : memref<!tpu.dma_semaphore, #tpu.memory_space<semaphore_mem>>
      %dma_start3A = tpu.memref_slice %arg3[%mul3A_2] : memref<320000xf32, #tpu.memory_space<hbm>> -> memref<10000xf32, #tpu.memory_space<hbm>>
      %dma_start3A_12 = tpu.memref_slice %arg3[%mul3A_2] : memref<320000xf32, #tpu.memory_space<hbm>> -> memref<10000xf32, #tpu.memory_space<hbm>>
      tpu.enqueue_dma source(%dma_start3A_12 : memref<10000xf32, #tpu.memory_space<hbm>>) target(%arg6 : memref<10000xf32, #tpu.memory_space<vmem>>) target_semaphore(%run_scoped3A : memref<!tpu.dma_semaphore, #tpu.memory_space<semaphore_mem>>)
      %dma_wait3A = tpu.memref_slice %arg3[%mul3A_2] : memref<320000xf32, #tpu.memory_space<hbm>> -> memref<10000xf32, #tpu.memory_space<hbm>>
      %dma_wait3A_13 = tpu.memref_slice %arg3[%mul3A_2] : memref<320000xf32, #tpu.memory_space<hbm>> -> memref<10000xf32, #tpu.memory_space<hbm>>
      tpu.wait_dma2 semaphore(%run_scoped3A : memref<!tpu.dma_semaphore, #tpu.memory_space<semaphore_mem>>) src(%dma_wait3A_13 : memref<10000xf32, #tpu.memory_space<hbm>>) dst(%arg6 : memref<10000xf32, #tpu.memory_space<vmem>>)
      tpu.yield
    }) : () -> ()
    %broadcast_in_dim3A = arith.constant 0.000000e+00 : f32
    %broadcast_in_dim3A_3 = vector.broadcast %broadcast_in_dim3A : f32 to vector<16xf32>
    %scan3A = arith.constant 0 : i32
    %scan3A_4 = arith.constant 625 : i32
    %scan3A_5 = arith.addi %scan3A, %scan3A_4 : i32
    %scan3A_6 = arith.constant 1 : i32
    scf.for %scan3A_12 = %scan3A to %scan3A_5 step %scan3A_6  : i32 {
      %mul3A_13 = arith.constant 16 : i32
      %mul3A_14 = arith.muli %scan3A_12, %mul3A_13 : i32
      %add3A_15 = arith.constant 0 : i32
      %add3A_16 = arith.addi %add3A_15, %mul3A_14 : i32
      %swap3A = arith.index_cast %add3A_16 : i32 to index
      %swap3A_17 = tpu.vector_load %arg7[%swap3A] {strides = array<i32>} : memref<10000xf32, #tpu.memory_space<vmem>>, vector<16xf32>,
      tpu.vector_store %arg7[%swap3A], %broadcast_in_dim3A_3 {strides = array<i32>} : memref<10000xf32, #tpu.memory_space<vmem>>, vector<16xf32>,
    }
    %scan3A_7 = arith.constant 625 : i32
    %parallel_loop3A = arith.constant 0 : i32
    %parallel_loop3A_8 = arith.constant 10000 : i32
    %parallel_loop3A_9 = arith.constant 16 : i32
    scf.for %parallel_loop3A_12 = %parallel_loop3A to %parallel_loop3A_8 step %parallel_loop3A_9  : i32 {
      %parallel_loop3A_13 = arith.index_cast %parallel_loop3A_12 : i32 to index
      %parallel_loop3A_14 = tpu.vector_load %arg5[%parallel_loop3A_13] {strides = array<i32>} : memref<10000xi32, #tpu.memory_space<vmem>>, vector<16xi32>,
      %parallel_loop3A_15 = arith.index_cast %parallel_loop3A_12 : i32 to index
      %parallel_loop3A_16 = tpu.vector_load %arg6[%parallel_loop3A_15] {strides = array<i32>} : memref<10000xf32, #tpu.memory_space<vmem>>, vector<16xf32>,
      tpu.vector_store_idx %arg7[%parallel_loop3A_14], %parallel_loop3A_16 {add = true} : memref<10000xf32, #tpu.memory_space<vmem>>[vector<16xi32>], vector<16xf32>,
    } {sc.loop_unroll_factor = 4 : i64, sc.parallel_access}
    %mul3A_10 = arith.constant 10000 : i32
    %mul3A_11 = arith.muli %add3A, %mul3A_10 : i32
    "tpu.region"() ({
      %run_scoped3A = tpu.sem_alloc : memref<!tpu.dma_semaphore, #tpu.memory_space<semaphore_mem>>
      %dma_start3A = tpu.memref_slice %arg4[%mul3A_11] : memref<320000xf32, #tpu.memory_space<hbm>> -> memref<10000xf32, #tpu.memory_space<hbm>>
      %dma_start3A_12 = tpu.memref_slice %arg4[%mul3A_11] : memref<320000xf32, #tpu.memory_space<hbm>> -> memref<10000xf32, #tpu.memory_space<hbm>>
      tpu.enqueue_dma source(%arg7 : memref<10000xf32, #tpu.memory_space<vmem>>) target(%dma_start3A_12 : memref<10000xf32, #tpu.memory_space<hbm>>) target_semaphore(%run_scoped3A : memref<!tpu.dma_semaphore, #tpu.memory_space<semaphore_mem>>)
      %dma_wait3A = tpu.memref_slice %arg4[%mul3A_11] : memref<320000xf32, #tpu.memory_space<hbm>> -> memref<10000xf32, #tpu.memory_space<hbm>>
      %dma_wait3A_13 = tpu.memref_slice %arg4[%mul3A_11] : memref<320000xf32, #tpu.memory_space<hbm>> -> memref<10000xf32, #tpu.memory_space<hbm>>
      tpu.wait_dma2 semaphore(%run_scoped3A : memref<!tpu.dma_semaphore, #tpu.memory_space<semaphore_mem>>) src(%arg7 : memref<10000xf32, #tpu.memory_space<vmem>>) dst(%dma_wait3A_13 : memref<10000xf32, #tpu.memory_space<hbm>>)
      tpu.yield
    }) : () -> ()
    return
  }
}

#map = affine_map<(d0, d1) -> (0)>
module attributes {stable_mosaic.version = 14 : i64} {
  func.func @_k3_msg(%arg0: i32, %arg1: i32, %arg2: memref<640000xi32, #tpu.memory_space<hbm>>, %arg3: memref<10000xf32, #tpu.memory_space<hbm>>, %arg4: memref<320000xi32, #tpu.memory_space<hbm>>, %arg5: memref<320000xf32, #tpu.memory_space<hbm>>, %arg6: memref<1280000xf32, #tpu.memory_space<hbm>>, %arg7: memref<20000xi32, #tpu.memory_space<vmem>>, %arg8: memref<40000xf32, #tpu.memory_space<vmem>>, %arg9: memref<10000xf32, #tpu.memory_space<vmem>>, %arg10: memref<16000xi32, #tpu.memory_space<vmem>>, %arg11: memref<16000xf32, #tpu.memory_space<vmem>>, %arg12: memref<!tpu.dma_semaphore, #tpu.memory_space<semaphore_mem>>, %arg13: memref<!tpu.dma_semaphore, #tpu.memory_space<semaphore_mem>>, %arg14: memref<!tpu.dma_semaphore, #tpu.memory_space<semaphore_mem>>, %arg15: memref<!tpu.dma_semaphore, #tpu.memory_space<semaphore_mem>>) attributes {dimension_semantics = [#tpu.dimension_semantics<core_parallel>, #tpu.dimension_semantics<subcore_parallel>], iteration_bounds = array<i64: 2, 16>, scalar_prefetch = 0 : i64, scratch_operands = 9 : i64, tpu.core_type = #tpu.core_type<sc_vector_subcore>, window_params = [{transform_indices = #map}, {transform_indices = #map}, {transform_indices = #map}, {transform_indices = #map}, {transform_indices = #map}]} {
    %mul3A = arith.constant 16 : i32
    %mul3A_0 = arith.muli %arg0, %mul3A : i32
    %add3A = arith.addi %mul3A_0, %arg1 : i32
    %mul3A_1 = arith.constant 4 : i32
    %mul3A_2 = arith.muli %add3A, %mul3A_1 : i32
    %dma_start3A = arith.constant 0 : i32
    %dma_start3A_3 = tpu.memref_slice %arg10[%dma_start3A] : memref<16000xi32, #tpu.memory_space<vmem>> -> memref<8000xi32, #tpu.memory_space<vmem>>
    %dma_start3A_4 = arith.constant 0 : i32
    %dma_start3A_5 = tpu.memref_slice %arg4[%dma_start3A_4] : memref<320000xi32, #tpu.memory_space<hbm>> -> memref<8000xi32, #tpu.memory_space<hbm>>
    %dma_start3A_6 = arith.constant 0 : i32
    %dma_start3A_7 = tpu.memref_slice %arg10[%dma_start3A_6] : memref<16000xi32, #tpu.memory_space<vmem>> -> memref<8000xi32, #tpu.memory_space<vmem>>
    %dma_start3A_8 = arith.constant 0 : i32
    %dma_start3A_9 = tpu.memref_slice %arg4[%dma_start3A_8] : memref<320000xi32, #tpu.memory_space<hbm>> -> memref<8000xi32, #tpu.memory_space<hbm>>
    tpu.enqueue_dma source(%dma_start3A_9 : memref<8000xi32, #tpu.memory_space<hbm>>) target(%dma_start3A_7 : memref<8000xi32, #tpu.memory_space<vmem>>) target_semaphore(%arg12 : memref<!tpu.dma_semaphore, #tpu.memory_space<semaphore_mem>>)
    %dma_start3A_10 = arith.constant 0 : i32
    %dma_start3A_11 = tpu.memref_slice %arg11[%dma_start3A_10] : memref<16000xf32, #tpu.memory_space<vmem>> -> memref<8000xf32, #tpu.memory_space<vmem>>
    %dma_start3A_12 = arith.constant 0 : i32
    %dma_start3A_13 = tpu.memref_slice %arg5[%dma_start3A_12] : memref<320000xf32, #tpu.memory_space<hbm>> -> memref<8000xf32, #tpu.memory_space<hbm>>
    %dma_start3A_14 = arith.constant 0 : i32
    %dma_start3A_15 = tpu.memref_slice %arg11[%dma_start3A_14] : memref<16000xf32, #tpu.memory_space<vmem>> -> memref<8000xf32, #tpu.memory_space<vmem>>
    %dma_start3A_16 = arith.constant 0 : i32
    %dma_start3A_17 = tpu.memref_slice %arg5[%dma_start3A_16] : memref<320000xf32, #tpu.memory_space<hbm>> -> memref<8000xf32, #tpu.memory_space<hbm>>
    tpu.enqueue_dma source(%dma_start3A_17 : memref<8000xf32, #tpu.memory_space<hbm>>) target(%dma_start3A_15 : memref<8000xf32, #tpu.memory_space<vmem>>) target_semaphore(%arg13 : memref<!tpu.dma_semaphore, #tpu.memory_space<semaphore_mem>>)
    %dma_start3A_18 = arith.constant 8000 : i32
    %dma_start3A_19 = tpu.memref_slice %arg10[%dma_start3A_18] : memref<16000xi32, #tpu.memory_space<vmem>> -> memref<8000xi32, #tpu.memory_space<vmem>>
    %dma_start3A_20 = arith.constant 8000 : i32
    %dma_start3A_21 = tpu.memref_slice %arg4[%dma_start3A_20] : memref<320000xi32, #tpu.memory_space<hbm>> -> memref<8000xi32, #tpu.memory_space<hbm>>
    %dma_start3A_22 = arith.constant 8000 : i32
    %dma_start3A_23 = tpu.memref_slice %arg10[%dma_start3A_22] : memref<16000xi32, #tpu.memory_space<vmem>> -> memref<8000xi32, #tpu.memory_space<vmem>>
    %dma_start3A_24 = arith.constant 8000 : i32
    %dma_start3A_25 = tpu.memref_slice %arg4[%dma_start3A_24] : memref<320000xi32, #tpu.memory_space<hbm>> -> memref<8000xi32, #tpu.memory_space<hbm>>
    tpu.enqueue_dma source(%dma_start3A_25 : memref<8000xi32, #tpu.memory_space<hbm>>) target(%dma_start3A_23 : memref<8000xi32, #tpu.memory_space<vmem>>) target_semaphore(%arg14 : memref<!tpu.dma_semaphore, #tpu.memory_space<semaphore_mem>>)
    %dma_start3A_26 = arith.constant 8000 : i32
    %dma_start3A_27 = tpu.memref_slice %arg11[%dma_start3A_26] : memref<16000xf32, #tpu.memory_space<vmem>> -> memref<8000xf32, #tpu.memory_space<vmem>>
    %dma_start3A_28 = arith.constant 8000 : i32
    %dma_start3A_29 = tpu.memref_slice %arg5[%dma_start3A_28] : memref<320000xf32, #tpu.memory_space<hbm>> -> memref<8000xf32, #tpu.memory_space<hbm>>
    %dma_start3A_30 = arith.constant 8000 : i32
    %dma_start3A_31 = tpu.memref_slice %arg11[%dma_start3A_30] : memref<16000xf32, #tpu.memory_space<vmem>> -> memref<8000xf32, #tpu.memory_space<vmem>>
    %dma_start3A_32 = arith.constant 8000 : i32
    %dma_start3A_33 = tpu.memref_slice %arg5[%dma_start3A_32] : memref<320000xf32, #tpu.memory_space<hbm>> -> memref<8000xf32, #tpu.memory_space<hbm>>
    tpu.enqueue_dma source(%dma_start3A_33 : memref<8000xf32, #tpu.memory_space<hbm>>) target(%dma_start3A_31 : memref<8000xf32, #tpu.memory_space<vmem>>) target_semaphore(%arg15 : memref<!tpu.dma_semaphore, #tpu.memory_space<semaphore_mem>>)
    %mul3A_34 = arith.constant 2 : i32
    %mul3A_35 = arith.muli %mul3A_34, %add3A : i32
    %add3A_36 = arith.constant 0 : i32
    %add3A_37 = arith.addi %mul3A_35, %add3A_36 : i32
    %mul3A_38 = arith.constant 10000 : i32
    %mul3A_39 = arith.muli %add3A_37, %mul3A_38 : i32
    "tpu.region"() ({
      %run_scoped3A = tpu.sem_alloc : memref<!tpu.dma_semaphore, #tpu.memory_space<semaphore_mem>>
      %dma_start3A_113 = arith.constant 0 : i32
      %dma_start3A_114 = tpu.memref_slice %arg7[%dma_start3A_113] : memref<20000xi32, #tpu.memory_space<vmem>> -> memref<10000xi32, #tpu.memory_space<vmem>>
      %dma_start3A_115 = tpu.memref_slice %arg2[%mul3A_39] : memref<640000xi32, #tpu.memory_space<hbm>> -> memref<10000xi32, #tpu.memory_space<hbm>>
      %dma_start3A_116 = arith.constant 0 : i32
      %dma_start3A_117 = tpu.memref_slice %arg7[%dma_start3A_116] : memref<20000xi32, #tpu.memory_space<vmem>> -> memref<10000xi32, #tpu.memory_space<vmem>>
      %dma_start3A_118 = tpu.memref_slice %arg2[%mul3A_39] : memref<640000xi32, #tpu.memory_space<hbm>> -> memref<10000xi32, #tpu.memory_space<hbm>>
      tpu.enqueue_dma source(%dma_start3A_118 : memref<10000xi32, #tpu.memory_space<hbm>>) target(%dma_start3A_117 : memref<10000xi32, #tpu.memory_space<vmem>>) target_semaphore(%run_scoped3A : memref<!tpu.dma_semaphore, #tpu.memory_space<semaphore_mem>>)
      %dma_wait3A_119 = arith.constant 0 : i32
      %dma_wait3A_120 = tpu.memref_slice %arg7[%dma_wait3A_119] : memref<20000xi32, #tpu.memory_space<vmem>> -> memref<10000xi32, #tpu.memory_space<vmem>>
      %dma_wait3A_121 = tpu.memref_slice %arg2[%mul3A_39] : memref<640000xi32, #tpu.memory_space<hbm>> -> memref<10000xi32, #tpu.memory_space<hbm>>
      %dma_wait3A_122 = arith.constant 0 : i32
      %dma_wait3A_123 = tpu.memref_slice %arg7[%dma_wait3A_122] : memref<20000xi32, #tpu.memory_space<vmem>> -> memref<10000xi32, #tpu.memory_space<vmem>>
      %dma_wait3A_124 = tpu.memref_slice %arg2[%mul3A_39] : memref<640000xi32, #tpu.memory_space<hbm>> -> memref<10000xi32, #tpu.memory_space<hbm>>
      tpu.wait_dma2 semaphore(%run_scoped3A : memref<!tpu.dma_semaphore, #tpu.memory_space<semaphore_mem>>) src(%dma_wait3A_124 : memref<10000xi32, #tpu.memory_space<hbm>>) dst(%dma_wait3A_123 : memref<10000xi32, #tpu.memory_space<vmem>>)
      tpu.yield
    }) : () -> ()
    %mul3A_40 = arith.constant 2 : i32
    %mul3A_41 = arith.muli %mul3A_40, %add3A : i32
    %add3A_42 = arith.constant 1 : i32
    %add3A_43 = arith.addi %mul3A_41, %add3A_42 : i32
    %mul3A_44 = arith.constant 10000 : i32
    %mul3A_45 = arith.muli %add3A_43, %mul3A_44 : i32
    "tpu.region"() ({
      %run_scoped3A = tpu.sem_alloc : memref<!tpu.dma_semaphore, #tpu.memory_space<semaphore_mem>>
      %dma_start3A_113 = arith.constant 10000 : i32
      %dma_start3A_114 = tpu.memref_slice %arg7[%dma_start3A_113] : memref<20000xi32, #tpu.memory_space<vmem>> -> memref<10000xi32, #tpu.memory_space<vmem>>
      %dma_start3A_115 = tpu.memref_slice %arg2[%mul3A_45] : memref<640000xi32, #tpu.memory_space<hbm>> -> memref<10000xi32, #tpu.memory_space<hbm>>
      %dma_start3A_116 = arith.constant 10000 : i32
      %dma_start3A_117 = tpu.memref_slice %arg7[%dma_start3A_116] : memref<20000xi32, #tpu.memory_space<vmem>> -> memref<10000xi32, #tpu.memory_space<vmem>>
      %dma_start3A_118 = tpu.memref_slice %arg2[%mul3A_45] : memref<640000xi32, #tpu.memory_space<hbm>> -> memref<10000xi32, #tpu.memory_space<hbm>>
      tpu.enqueue_dma source(%dma_start3A_118 : memref<10000xi32, #tpu.memory_space<hbm>>) target(%dma_start3A_117 : memref<10000xi32, #tpu.memory_space<vmem>>) target_semaphore(%run_scoped3A : memref<!tpu.dma_semaphore, #tpu.memory_space<semaphore_mem>>)
      %dma_wait3A_119 = arith.constant 10000 : i32
      %dma_wait3A_120 = tpu.memref_slice %arg7[%dma_wait3A_119] : memref<20000xi32, #tpu.memory_space<vmem>> -> memref<10000xi32, #tpu.memory_space<vmem>>
      %dma_wait3A_121 = tpu.memref_slice %arg2[%mul3A_45] : memref<640000xi32, #tpu.memory_space<hbm>> -> memref<10000xi32, #tpu.memory_space<hbm>>
      %dma_wait3A_122 = arith.constant 10000 : i32
      %dma_wait3A_123 = tpu.memref_slice %arg7[%dma_wait3A_122] : memref<20000xi32, #tpu.memory_space<vmem>> -> memref<10000xi32, #tpu.memory_space<vmem>>
      %dma_wait3A_124 = tpu.memref_slice %arg2[%mul3A_45] : memref<640000xi32, #tpu.memory_space<hbm>> -> memref<10000xi32, #tpu.memory_space<hbm>>
      tpu.wait_dma2 semaphore(%run_scoped3A : memref<!tpu.dma_semaphore, #tpu.memory_space<semaphore_mem>>) src(%dma_wait3A_124 : memref<10000xi32, #tpu.memory_space<hbm>>) dst(%dma_wait3A_123 : memref<10000xi32, #tpu.memory_space<vmem>>)
      tpu.yield
    }) : () -> ()
    "tpu.region"() ({
      %run_scoped3A = tpu.sem_alloc : memref<!tpu.dma_semaphore, #tpu.memory_space<semaphore_mem>>
      tpu.enqueue_dma source(%arg3 : memref<10000xf32, #tpu.memory_space<hbm>>) target(%arg9 : memref<10000xf32, #tpu.memory_space<vmem>>) target_semaphore(%run_scoped3A : memref<!tpu.dma_semaphore, #tpu.memory_space<semaphore_mem>>)
      tpu.wait_dma2 semaphore(%run_scoped3A : memref<!tpu.dma_semaphore, #tpu.memory_space<semaphore_mem>>) src(%arg3 : memref<10000xf32, #tpu.memory_space<hbm>>) dst(%arg9 : memref<10000xf32, #tpu.memory_space<vmem>>)
      tpu.yield
    }) : () -> ()
    %broadcast_in_dim3A = arith.constant 0.000000e+00 : f32
    %broadcast_in_dim3A_46 = vector.broadcast %broadcast_in_dim3A : f32 to vector<16xf32>
    %parallel_loop3A = arith.constant 0 : i32
    %parallel_loop3A_47 = arith.constant 40000 : i32
    %parallel_loop3A_48 = arith.constant 16 : i32
    scf.for %parallel_loop3A_113 = %parallel_loop3A to %parallel_loop3A_47 step %parallel_loop3A_48  : i32 {
      %parallel_loop3A_114 = arith.index_cast %parallel_loop3A_113 : i32 to index
      %parallel_loop3A_115 = tpu.vector_load %arg8[%parallel_loop3A_114] {strides = array<i32>} : memref<40000xf32, #tpu.memory_space<vmem>>, vector<16xf32>,
      tpu.vector_store %arg8[%parallel_loop3A_114], %broadcast_in_dim3A_46 {strides = array<i32>} : memref<40000xf32, #tpu.memory_space<vmem>>, vector<16xf32>,
    } {sc.loop_unroll_factor = 4 : i64, sc.parallel_access}
    %scan3A = arith.constant -65536 : i32
    %scan3A_49 = arith.constant 0 : i32
    %scan3A_50 = arith.constant 19 : i32
    %scan3A_51 = arith.addi %scan3A_49, %scan3A_50 : i32
    %scan3A_52 = arith.constant 1 : i32
    scf.for %scan3A_113 = %scan3A_49 to %scan3A_51 step %scan3A_52  : i32 {
      %mul3A_114 = arith.constant 2 : i32
      %mul3A_115 = arith.muli %scan3A_113, %mul3A_114 : i32
      %add3A_116 = arith.constant 0 : i32
      %add3A_117 = arith.addi %add3A_116, %mul3A_115 : i32
      %dma_wait3A_118 = arith.constant 0 : i32
      %dma_wait3A_119 = tpu.memref_slice %arg10[%dma_wait3A_118] : memref<16000xi32, #tpu.memory_space<vmem>> -> memref<8000xi32, #tpu.memory_space<vmem>>
      %dma_wait3A_120 = arith.constant 0 : i32
      %dma_wait3A_121 = tpu.memref_slice %arg4[%dma_wait3A_120] : memref<320000xi32, #tpu.memory_space<hbm>> -> memref<8000xi32, #tpu.memory_space<hbm>>
      %dma_wait3A_122 = arith.constant 0 : i32
      %dma_wait3A_123 = tpu.memref_slice %arg10[%dma_wait3A_122] : memref<16000xi32, #tpu.memory_space<vmem>> -> memref<8000xi32, #tpu.memory_space<vmem>>
      %dma_wait3A_124 = arith.constant 0 : i32
      %dma_wait3A_125 = tpu.memref_slice %arg4[%dma_wait3A_124] : memref<320000xi32, #tpu.memory_space<hbm>> -> memref<8000xi32, #tpu.memory_space<hbm>>
      tpu.wait_dma2 semaphore(%arg12 : memref<!tpu.dma_semaphore, #tpu.memory_space<semaphore_mem>>) src(%dma_wait3A_125 : memref<8000xi32, #tpu.memory_space<hbm>>) dst(%dma_wait3A_123 : memref<8000xi32, #tpu.memory_space<vmem>>)
      %dma_wait3A_126 = arith.constant 0 : i32
      %dma_wait3A_127 = tpu.memref_slice %arg11[%dma_wait3A_126] : memref<16000xf32, #tpu.memory_space<vmem>> -> memref<8000xf32, #tpu.memory_space<vmem>>
      %dma_wait3A_128 = arith.constant 0 : i32
      %dma_wait3A_129 = tpu.memref_slice %arg5[%dma_wait3A_128] : memref<320000xf32, #tpu.memory_space<hbm>> -> memref<8000xf32, #tpu.memory_space<hbm>>
      %dma_wait3A_130 = arith.constant 0 : i32
      %dma_wait3A_131 = tpu.memref_slice %arg11[%dma_wait3A_130] : memref<16000xf32, #tpu.memory_space<vmem>> -> memref<8000xf32, #tpu.memory_space<vmem>>
      %dma_wait3A_132 = arith.constant 0 : i32
      %dma_wait3A_133 = tpu.memref_slice %arg5[%dma_wait3A_132] : memref<320000xf32, #tpu.memory_space<hbm>> -> memref<8000xf32, #tpu.memory_space<hbm>>
      tpu.wait_dma2 semaphore(%arg13 : memref<!tpu.dma_semaphore, #tpu.memory_space<semaphore_mem>>) src(%dma_wait3A_133 : memref<8000xf32, #tpu.memory_space<hbm>>) dst(%dma_wait3A_131 : memref<8000xf32, #tpu.memory_space<vmem>>)
      %parallel_loop3A_134 = arith.constant 0 : i32
      %parallel_loop3A_135 = arith.constant 8000 : i32
      %parallel_loop3A_136 = arith.constant 16 : i32
      scf.for %parallel_loop3A_192 = %parallel_loop3A_134 to %parallel_loop3A_135 step %parallel_loop3A_136  : i32 {
        %parallel_loop3A_193 = arith.constant 0 : i32
        %parallel_loop3A_194 = arith.addi %parallel_loop3A_193, %parallel_loop3A_192 : i32
        %parallel_loop3A_195 = arith.index_cast %parallel_loop3A_194 : i32 to index
        %parallel_loop3A_196 = tpu.vector_load %arg10[%parallel_loop3A_195] {strides = array<i32>} : memref<16000xi32, #tpu.memory_space<vmem>>, vector<16xi32>,
        %parallel_loop3A_197 = arith.constant 0 : i32
        %parallel_loop3A_198 = arith.addi %parallel_loop3A_197, %parallel_loop3A_192 : i32
        %parallel_loop3A_199 = arith.index_cast %parallel_loop3A_198 : i32 to index
        %parallel_loop3A_200 = tpu.vector_load %arg11[%parallel_loop3A_199] {strides = array<i32>} : memref<16000xf32, #tpu.memory_space<vmem>>, vector<16xf32>,
        %parallel_loop3A_201 = arith.constant 14 : i32
        %parallel_loop3A_202 = vector.broadcast %parallel_loop3A_201 : i32 to vector<16xi32>
        %parallel_loop3A_203 = arith.shrui %parallel_loop3A_196, %parallel_loop3A_202 : vector<16xi32>
        %parallel_loop3A_204 = arith.constant 16383 : i32
        %parallel_loop3A_205 = vector.broadcast %parallel_loop3A_204 : i32 to vector<16xi32>
        %parallel_loop3A_206 = arith.andi %parallel_loop3A_196, %parallel_loop3A_205 : vector<16xi32>
        %parallel_loop3A_207 = arith.constant 0 : i32
        %parallel_loop3A_208 = vector.broadcast %parallel_loop3A_207 : i32 to vector<16xi32>
        %parallel_loop3A_209 = arith.addi %parallel_loop3A_203, %parallel_loop3A_208 : vector<16xi32>
        %parallel_loop3A_210 = tpu.vector_load_idx %arg7[%parallel_loop3A_209] : memref<20000xi32, #tpu.memory_space<vmem>>[vector<16xi32>], vector<16xi32>,
        %parallel_loop3A_211 = vector.broadcast %scan3A : i32 to vector<16xi32>
        %parallel_loop3A_212 = arith.andi %parallel_loop3A_210, %parallel_loop3A_211 : vector<16xi32>
        %parallel_loop3A_213 = vector.bitcast %parallel_loop3A_212 : vector<16xi32> to vector<16xf32>
        %parallel_loop3A_214 = arith.constant 16 : i32
        %parallel_loop3A_215 = vector.broadcast %parallel_loop3A_214 : i32 to vector<16xi32>
        %parallel_loop3A_216 = arith.shli %parallel_loop3A_210, %parallel_loop3A_215 : vector<16xi32>
        %parallel_loop3A_217 = vector.bitcast %parallel_loop3A_216 : vector<16xi32> to vector<16xf32>
        %parallel_loop3A_218 = arith.constant 0 : i32
        %parallel_loop3A_219 = vector.broadcast %parallel_loop3A_218 : i32 to vector<16xi32>
        %parallel_loop3A_220 = arith.addi %parallel_loop3A_206, %parallel_loop3A_219 : vector<16xi32>
        %parallel_loop3A_221 = arith.mulf %parallel_loop3A_213, %parallel_loop3A_200 : vector<16xf32>
        tpu.vector_store_idx %arg8[%parallel_loop3A_220], %parallel_loop3A_221 {add = true} : memref<40000xf32, #tpu.memory_space<vmem>>[vector<16xi32>], vector<16xf32>,
        %parallel_loop3A_222 = arith.constant 10000 : i32
        %parallel_loop3A_223 = vector.broadcast %parallel_loop3A_222 : i32 to vector<16xi32>
        %parallel_loop3A_224 = arith.addi %parallel_loop3A_206, %parallel_loop3A_223 : vector<16xi32>
        %parallel_loop3A_225 = arith.mulf %parallel_loop3A_217, %parallel_loop3A_200 : vector<16xf32>
        tpu.vector_store_idx %arg8[%parallel_loop3A_224], %parallel_loop3A_225 {add = true} : memref<40000xf32, #tpu.memory_space<vmem>>[vector<16xi32>], vector<16xf32>,
        %parallel_loop3A_226 = arith.constant 10000 : i32
        %parallel_loop3A_227 = vector.broadcast %parallel_loop3A_226 : i32 to vector<16xi32>
        %parallel_loop3A_228 = arith.addi %parallel_loop3A_203, %parallel_loop3A_227 : vector<16xi32>
        %parallel_loop3A_229 = tpu.vector_load_idx %arg7[%parallel_loop3A_228] : memref<20000xi32, #tpu.memory_space<vmem>>[vector<16xi32>], vector<16xi32>,
        %parallel_loop3A_230 = vector.broadcast %scan3A : i32 to vector<16xi32>
        %parallel_loop3A_231 = arith.andi %parallel_loop3A_229, %parallel_loop3A_230 : vector<16xi32>
        %parallel_loop3A_232 = vector.bitcast %parallel_loop3A_231 : vector<16xi32> to vector<16xf32>
        %parallel_loop3A_233 = arith.constant 16 : i32
        %parallel_loop3A_234 = vector.broadcast %parallel_loop3A_233 : i32 to vector<16xi32>
        %parallel_loop3A_235 = arith.shli %parallel_loop3A_229, %parallel_loop3A_234 : vector<16xi32>
        %parallel_loop3A_236 = vector.bitcast %parallel_loop3A_235 : vector<16xi32> to vector<16xf32>
        %parallel_loop3A_237 = arith.constant 20000 : i32
        %parallel_loop3A_238 = vector.broadcast %parallel_loop3A_237 : i32 to vector<16xi32>
        %parallel_loop3A_239 = arith.addi %parallel_loop3A_206, %parallel_loop3A_238 : vector<16xi32>
        %parallel_loop3A_240 = arith.mulf %parallel_loop3A_232, %parallel_loop3A_200 : vector<16xf32>
        tpu.vector_store_idx %arg8[%parallel_loop3A_239], %parallel_loop3A_240 {add = true} : memref<40000xf32, #tpu.memory_space<vmem>>[vector<16xi32>], vector<16xf32>,
        %parallel_loop3A_241 = arith.constant 30000 : i32
        %parallel_loop3A_242 = vector.broadcast %parallel_loop3A_241 : i32 to vector<16xi32>
        %parallel_loop3A_243 = arith.addi %parallel_loop3A_206, %parallel_loop3A_242 : vector<16xi32>
        %parallel_loop3A_244 = arith.mulf %parallel_loop3A_236, %parallel_loop3A_200 : vector<16xf32>
        tpu.vector_store_idx %arg8[%parallel_loop3A_243], %parallel_loop3A_244 {add = true} : memref<40000xf32, #tpu.memory_space<vmem>>[vector<16xi32>], vector<16xf32>,
      } {sc.loop_unroll_factor = 4 : i64, sc.parallel_access}
      %add3A_137 = arith.constant 2 : i32
      %add3A_138 = arith.addi %add3A_117, %add3A_137 : i32
      %mul3A_139 = arith.constant 8000 : i32
      %mul3A_140 = arith.muli %add3A_138, %mul3A_139 : i32
      %dma_start3A_141 = arith.constant 0 : i32
      %dma_start3A_142 = tpu.memref_slice %arg10[%dma_start3A_141] : memref<16000xi32, #tpu.memory_space<vmem>> -> memref<8000xi32, #tpu.memory_space<vmem>>
      %dma_start3A_143 = tpu.memref_slice %arg4[%mul3A_140] : memref<320000xi32, #tpu.memory_space<hbm>> -> memref<8000xi32, #tpu.memory_space<hbm>>
      %dma_start3A_144 = arith.constant 0 : i32
      %dma_start3A_145 = tpu.memref_slice %arg10[%dma_start3A_144] : memref<16000xi32, #tpu.memory_space<vmem>> -> memref<8000xi32, #tpu.memory_space<vmem>>
      %dma_start3A_146 = tpu.memref_slice %arg4[%mul3A_140] : memref<320000xi32, #tpu.memory_space<hbm>> -> memref<8000xi32, #tpu.memory_space<hbm>>
      tpu.enqueue_dma source(%dma_start3A_146 : memref<8000xi32, #tpu.memory_space<hbm>>) target(%dma_start3A_145 : memref<8000xi32, #tpu.memory_space<vmem>>) target_semaphore(%arg12 : memref<!tpu.dma_semaphore, #tpu.memory_space<semaphore_mem>>)
      %mul3A_147 = arith.constant 8000 : i32
      %mul3A_148 = arith.muli %add3A_138, %mul3A_147 : i32
      %dma_start3A_149 = arith.constant 0 : i32
      %dma_start3A_150 = tpu.memref_slice %arg11[%dma_start3A_149] : memref<16000xf32, #tpu.memory_space<vmem>> -> memref<8000xf32, #tpu.memory_space<vmem>>
      %dma_start3A_151 = tpu.memref_slice %arg5[%mul3A_148] : memref<320000xf32, #tpu.memory_space<hbm>> -> memref<8000xf32, #tpu.memory_space<hbm>>
      %dma_start3A_152 = arith.constant 0 : i32
      %dma_start3A_153 = tpu.memref_slice %arg11[%dma_start3A_152] : memref<16000xf32, #tpu.memory_space<vmem>> -> memref<8000xf32, #tpu.memory_space<vmem>>
      %dma_start3A_154 = tpu.memref_slice %arg5[%mul3A_148] : memref<320000xf32, #tpu.memory_space<hbm>> -> memref<8000xf32, #tpu.memory_space<hbm>>
      tpu.enqueue_dma source(%dma_start3A_154 : memref<8000xf32, #tpu.memory_space<hbm>>) target(%dma_start3A_153 : memref<8000xf32, #tpu.memory_space<vmem>>) target_semaphore(%arg13 : memref<!tpu.dma_semaphore, #tpu.memory_space<semaphore_mem>>)
      %dma_wait3A_155 = arith.constant 8000 : i32
      %dma_wait3A_156 = tpu.memref_slice %arg10[%dma_wait3A_155] : memref<16000xi32, #tpu.memory_space<vmem>> -> memref<8000xi32, #tpu.memory_space<vmem>>
      %dma_wait3A_157 = arith.constant 0 : i32
      %dma_wait3A_158 = tpu.memref_slice %arg4[%dma_wait3A_157] : memref<320000xi32, #tpu.memory_space<hbm>> -> memref<8000xi32, #tpu.memory_space<hbm>>
      %dma_wait3A_159 = arith.constant 8000 : i32
      %dma_wait3A_160 = tpu.memref_slice %arg10[%dma_wait3A_159] : memref<16000xi32, #tpu.memory_space<vmem>> -> memref<8000xi32, #tpu.memory_space<vmem>>
      %dma_wait3A_161 = arith.constant 0 : i32
      %dma_wait3A_162 = tpu.memref_slice %arg4[%dma_wait3A_161] : memref<320000xi32, #tpu.memory_space<hbm>> -> memref<8000xi32, #tpu.memory_space<hbm>>
      tpu.wait_dma2 semaphore(%arg14 : memref<!tpu.dma_semaphore, #tpu.memory_space<semaphore_mem>>) src(%dma_wait3A_162 : memref<8000xi32, #tpu.memory_space<hbm>>) dst(%dma_wait3A_160 : memref<8000xi32, #tpu.memory_space<vmem>>)
      %dma_wait3A_163 = arith.constant 8000 : i32
      %dma_wait3A_164 = tpu.memref_slice %arg11[%dma_wait3A_163] : memref<16000xf32, #tpu.memory_space<vmem>> -> memref<8000xf32, #tpu.memory_space<vmem>>
      %dma_wait3A_165 = arith.constant 0 : i32
      %dma_wait3A_166 = tpu.memref_slice %arg5[%dma_wait3A_165] : memref<320000xf32, #tpu.memory_space<hbm>> -> memref<8000xf32, #tpu.memory_space<hbm>>
      %dma_wait3A_167 = arith.constant 8000 : i32
      %dma_wait3A_168 = tpu.memref_slice %arg11[%dma_wait3A_167] : memref<16000xf32, #tpu.memory_space<vmem>> -> memref<8000xf32, #tpu.memory_space<vmem>>
      %dma_wait3A_169 = arith.constant 0 : i32
      %dma_wait3A_170 = tpu.memref_slice %arg5[%dma_wait3A_169] : memref<320000xf32, #tpu.memory_space<hbm>> -> memref<8000xf32, #tpu.memory_space<hbm>>
      tpu.wait_dma2 semaphore(%arg15 : memref<!tpu.dma_semaphore, #tpu.memory_space<semaphore_mem>>) src(%dma_wait3A_170 : memref<8000xf32, #tpu.memory_space<hbm>>) dst(%dma_wait3A_168 : memref<8000xf32, #tpu.memory_space<vmem>>)
      %parallel_loop3A_171 = arith.constant 0 : i32
      %parallel_loop3A_172 = arith.constant 8000 : i32
      %parallel_loop3A_173 = arith.constant 16 : i32
      scf.for %parallel_loop3A_192 = %parallel_loop3A_171 to %parallel_loop3A_172 step %parallel_loop3A_173  : i32 {
        %parallel_loop3A_193 = arith.constant 8000 : i32
        %parallel_loop3A_194 = arith.addi %parallel_loop3A_193, %parallel_loop3A_192 : i32
        %parallel_loop3A_195 = arith.index_cast %parallel_loop3A_194 : i32 to index
        %parallel_loop3A_196 = tpu.vector_load %arg10[%parallel_loop3A_195] {strides = array<i32>} : memref<16000xi32, #tpu.memory_space<vmem>>, vector<16xi32>,
        %parallel_loop3A_197 = arith.constant 8000 : i32
        %parallel_loop3A_198 = arith.addi %parallel_loop3A_197, %parallel_loop3A_192 : i32
        %parallel_loop3A_199 = arith.index_cast %parallel_loop3A_198 : i32 to index
        %parallel_loop3A_200 = tpu.vector_load %arg11[%parallel_loop3A_199] {strides = array<i32>} : memref<16000xf32, #tpu.memory_space<vmem>>, vector<16xf32>,
        %parallel_loop3A_201 = arith.constant 14 : i32
        %parallel_loop3A_202 = vector.broadcast %parallel_loop3A_201 : i32 to vector<16xi32>
        %parallel_loop3A_203 = arith.shrui %parallel_loop3A_196, %parallel_loop3A_202 : vector<16xi32>
        %parallel_loop3A_204 = arith.constant 16383 : i32
        %parallel_loop3A_205 = vector.broadcast %parallel_loop3A_204 : i32 to vector<16xi32>
        %parallel_loop3A_206 = arith.andi %parallel_loop3A_196, %parallel_loop3A_205 : vector<16xi32>
        %parallel_loop3A_207 = arith.constant 0 : i32
        %parallel_loop3A_208 = vector.broadcast %parallel_loop3A_207 : i32 to vector<16xi32>
        %parallel_loop3A_209 = arith.addi %parallel_loop3A_203, %parallel_loop3A_208 : vector<16xi32>
        %parallel_loop3A_210 = tpu.vector_load_idx %arg7[%parallel_loop3A_209] : memref<20000xi32, #tpu.memory_space<vmem>>[vector<16xi32>], vector<16xi32>,
        %parallel_loop3A_211 = vector.broadcast %scan3A : i32 to vector<16xi32>
        %parallel_loop3A_212 = arith.andi %parallel_loop3A_210, %parallel_loop3A_211 : vector<16xi32>
        %parallel_loop3A_213 = vector.bitcast %parallel_loop3A_212 : vector<16xi32> to vector<16xf32>
        %parallel_loop3A_214 = arith.constant 16 : i32
        %parallel_loop3A_215 = vector.broadcast %parallel_loop3A_214 : i32 to vector<16xi32>
        %parallel_loop3A_216 = arith.shli %parallel_loop3A_210, %parallel_loop3A_215 : vector<16xi32>
        %parallel_loop3A_217 = vector.bitcast %parallel_loop3A_216 : vector<16xi32> to vector<16xf32>
        %parallel_loop3A_218 = arith.constant 0 : i32
        %parallel_loop3A_219 = vector.broadcast %parallel_loop3A_218 : i32 to vector<16xi32>
        %parallel_loop3A_220 = arith.addi %parallel_loop3A_206, %parallel_loop3A_219 : vector<16xi32>
        %parallel_loop3A_221 = arith.mulf %parallel_loop3A_213, %parallel_loop3A_200 : vector<16xf32>
        tpu.vector_store_idx %arg8[%parallel_loop3A_220], %parallel_loop3A_221 {add = true} : memref<40000xf32, #tpu.memory_space<vmem>>[vector<16xi32>], vector<16xf32>,
        %parallel_loop3A_222 = arith.constant 10000 : i32
        %parallel_loop3A_223 = vector.broadcast %parallel_loop3A_222 : i32 to vector<16xi32>
        %parallel_loop3A_224 = arith.addi %parallel_loop3A_206, %parallel_loop3A_223 : vector<16xi32>
        %parallel_loop3A_225 = arith.mulf %parallel_loop3A_217, %parallel_loop3A_200 : vector<16xf32>
        tpu.vector_store_idx %arg8[%parallel_loop3A_224], %parallel_loop3A_225 {add = true} : memref<40000xf32, #tpu.memory_space<vmem>>[vector<16xi32>], vector<16xf32>,
        %parallel_loop3A_226 = arith.constant 10000 : i32
        %parallel_loop3A_227 = vector.broadcast %parallel_loop3A_226 : i32 to vector<16xi32>
        %parallel_loop3A_228 = arith.addi %parallel_loop3A_203, %parallel_loop3A_227 : vector<16xi32>
        %parallel_loop3A_229 = tpu.vector_load_idx %arg7[%parallel_loop3A_228] : memref<20000xi32, #tpu.memory_space<vmem>>[vector<16xi32>], vector<16xi32>,
        %parallel_loop3A_230 = vector.broadcast %scan3A : i32 to vector<16xi32>
        %parallel_loop3A_231 = arith.andi %parallel_loop3A_229, %parallel_loop3A_230 : vector<16xi32>
        %parallel_loop3A_232 = vector.bitcast %parallel_loop3A_231 : vector<16xi32> to vector<16xf32>
        %parallel_loop3A_233 = arith.constant 16 : i32
        %parallel_loop3A_234 = vector.broadcast %parallel_loop3A_233 : i32 to vector<16xi32>
        %parallel_loop3A_235 = arith.shli %parallel_loop3A_229, %parallel_loop3A_234 : vector<16xi32>
        %parallel_loop3A_236 = vector.bitcast %parallel_loop3A_235 : vector<16xi32> to vector<16xf32>
        %parallel_loop3A_237 = arith.constant 20000 : i32
        %parallel_loop3A_238 = vector.broadcast %parallel_loop3A_237 : i32 to vector<16xi32>
        %parallel_loop3A_239 = arith.addi %parallel_loop3A_206, %parallel_loop3A_238 : vector<16xi32>
        %parallel_loop3A_240 = arith.mulf %parallel_loop3A_232, %parallel_loop3A_200 : vector<16xf32>
        tpu.vector_store_idx %arg8[%parallel_loop3A_239], %parallel_loop3A_240 {add = true} : memref<40000xf32, #tpu.memory_space<vmem>>[vector<16xi32>], vector<16xf32>,
        %parallel_loop3A_241 = arith.constant 30000 : i32
        %parallel_loop3A_242 = vector.broadcast %parallel_loop3A_241 : i32 to vector<16xi32>
        %parallel_loop3A_243 = arith.addi %parallel_loop3A_206, %parallel_loop3A_242 : vector<16xi32>
        %parallel_loop3A_244 = arith.mulf %parallel_loop3A_236, %parallel_loop3A_200 : vector<16xf32>
        tpu.vector_store_idx %arg8[%parallel_loop3A_243], %parallel_loop3A_244 {add = true} : memref<40000xf32, #tpu.memory_space<vmem>>[vector<16xi32>], vector<16xf32>,
      } {sc.loop_unroll_factor = 4 : i64, sc.parallel_access}
      %add3A_174 = arith.constant 3 : i32
      %add3A_175 = arith.addi %add3A_117, %add3A_174 : i32
      %mul3A_176 = arith.constant 8000 : i32
      %mul3A_177 = arith.muli %add3A_175, %mul3A_176 : i32
      %dma_start3A_178 = arith.constant 8000 : i32
      %dma_start3A_179 = tpu.memref_slice %arg10[%dma_start3A_178] : memref<16000xi32, #tpu.memory_space<vmem>> -> memref<8000xi32, #tpu.memory_space<vmem>>
      %dma_start3A_180 = tpu.memref_slice %arg4[%mul3A_177] : memref<320000xi32, #tpu.memory_space<hbm>> -> memref<8000xi32, #tpu.memory_space<hbm>>
      %dma_start3A_181 = arith.constant 8000 : i32
      %dma_start3A_182 = tpu.memref_slice %arg10[%dma_start3A_181] : memref<16000xi32, #tpu.memory_space<vmem>> -> memref<8000xi32, #tpu.memory_space<vmem>>
      %dma_start3A_183 = tpu.memref_slice %arg4[%mul3A_177] : memref<320000xi32, #tpu.memory_space<hbm>> -> memref<8000xi32, #tpu.memory_space<hbm>>
      tpu.enqueue_dma source(%dma_start3A_183 : memref<8000xi32, #tpu.memory_space<hbm>>) target(%dma_start3A_182 : memref<8000xi32, #tpu.memory_space<vmem>>) target_semaphore(%arg14 : memref<!tpu.dma_semaphore, #tpu.memory_space<semaphore_mem>>)
      %mul3A_184 = arith.constant 8000 : i32
      %mul3A_185 = arith.muli %add3A_175, %mul3A_184 : i32
      %dma_start3A_186 = arith.constant 8000 : i32
      %dma_start3A_187 = tpu.memref_slice %arg11[%dma_start3A_186] : memref<16000xf32, #tpu.memory_space<vmem>> -> memref<8000xf32, #tpu.memory_space<vmem>>
      %dma_start3A_188 = tpu.memref_slice %arg5[%mul3A_185] : memref<320000xf32, #tpu.memory_space<hbm>> -> memref<8000xf32, #tpu.memory_space<hbm>>
      %dma_start3A_189 = arith.constant 8000 : i32
      %dma_start3A_190 = tpu.memref_slice %arg11[%dma_start3A_189] : memref<16000xf32, #tpu.memory_space<vmem>> -> memref<8000xf32, #tpu.memory_space<vmem>>
      %dma_start3A_191 = tpu.memref_slice %arg5[%mul3A_185] : memref<320000xf32, #tpu.memory_space<hbm>> -> memref<8000xf32, #tpu.memory_space<hbm>>
      tpu.enqueue_dma source(%dma_start3A_191 : memref<8000xf32, #tpu.memory_space<hbm>>) target(%dma_start3A_190 : memref<8000xf32, #tpu.memory_space<vmem>>) target_semaphore(%arg15 : memref<!tpu.dma_semaphore, #tpu.memory_space<semaphore_mem>>)
    }
    %scan3A_53 = arith.constant 19 : i32
    %dma_wait3A = arith.constant 0 : i32
    %dma_wait3A_54 = tpu.memref_slice %arg10[%dma_wait3A] : memref<16000xi32, #tpu.memory_space<vmem>> -> memref<8000xi32, #tpu.memory_space<vmem>>
    %dma_wait3A_55 = arith.constant 0 : i32
    %dma_wait3A_56 = tpu.memref_slice %arg4[%dma_wait3A_55] : memref<320000xi32, #tpu.memory_space<hbm>> -> memref<8000xi32, #tpu.memory_space<hbm>>
    %dma_wait3A_57 = arith.constant 0 : i32
    %dma_wait3A_58 = tpu.memref_slice %arg10[%dma_wait3A_57] : memref<16000xi32, #tpu.memory_space<vmem>> -> memref<8000xi32, #tpu.memory_space<vmem>>
    %dma_wait3A_59 = arith.constant 0 : i32
    %dma_wait3A_60 = tpu.memref_slice %arg4[%dma_wait3A_59] : memref<320000xi32, #tpu.memory_space<hbm>> -> memref<8000xi32, #tpu.memory_space<hbm>>
    tpu.wait_dma2 semaphore(%arg12 : memref<!tpu.dma_semaphore, #tpu.memory_space<semaphore_mem>>) src(%dma_wait3A_60 : memref<8000xi32, #tpu.memory_space<hbm>>) dst(%dma_wait3A_58 : memref<8000xi32, #tpu.memory_space<vmem>>)
    %dma_wait3A_61 = arith.constant 0 : i32
    %dma_wait3A_62 = tpu.memref_slice %arg11[%dma_wait3A_61] : memref<16000xf32, #tpu.memory_space<vmem>> -> memref<8000xf32, #tpu.memory_space<vmem>>
    %dma_wait3A_63 = arith.constant 0 : i32
    %dma_wait3A_64 = tpu.memref_slice %arg5[%dma_wait3A_63] : memref<320000xf32, #tpu.memory_space<hbm>> -> memref<8000xf32, #tpu.memory_space<hbm>>
    %dma_wait3A_65 = arith.constant 0 : i32
    %dma_wait3A_66 = tpu.memref_slice %arg11[%dma_wait3A_65] : memref<16000xf32, #tpu.memory_space<vmem>> -> memref<8000xf32, #tpu.memory_space<vmem>>
    %dma_wait3A_67 = arith.constant 0 : i32
    %dma_wait3A_68 = tpu.memref_slice %arg5[%dma_wait3A_67] : memref<320000xf32, #tpu.memory_space<hbm>> -> memref<8000xf32, #tpu.memory_space<hbm>>
    tpu.wait_dma2 semaphore(%arg13 : memref<!tpu.dma_semaphore, #tpu.memory_space<semaphore_mem>>) src(%dma_wait3A_68 : memref<8000xf32, #tpu.memory_space<hbm>>) dst(%dma_wait3A_66 : memref<8000xf32, #tpu.memory_space<vmem>>)
    %parallel_loop3A_69 = arith.constant 0 : i32
    %parallel_loop3A_70 = arith.constant 8000 : i32
    %parallel_loop3A_71 = arith.constant 16 : i32
    %parallel_loop3A_72 = arith.constant -65536 : i32
    scf.for %parallel_loop3A_113 = %parallel_loop3A_69 to %parallel_loop3A_70 step %parallel_loop3A_71  : i32 {
      %parallel_loop3A_114 = arith.constant 0 : i32
      %parallel_loop3A_115 = arith.addi %parallel_loop3A_114, %parallel_loop3A_113 : i32
      %parallel_loop3A_116 = arith.index_cast %parallel_loop3A_115 : i32 to index
      %parallel_loop3A_117 = tpu.vector_load %arg10[%parallel_loop3A_116] {strides = array<i32>} : memref<16000xi32, #tpu.memory_space<vmem>>, vector<16xi32>,
      %parallel_loop3A_118 = arith.constant 0 : i32
      %parallel_loop3A_119 = arith.addi %parallel_loop3A_118, %parallel_loop3A_113 : i32
      %parallel_loop3A_120 = arith.index_cast %parallel_loop3A_119 : i32 to index
      %parallel_loop3A_121 = tpu.vector_load %arg11[%parallel_loop3A_120] {strides = array<i32>} : memref<16000xf32, #tpu.memory_space<vmem>>, vector<16xf32>,
      %parallel_loop3A_122 = arith.constant 14 : i32
      %parallel_loop3A_123 = vector.broadcast %parallel_loop3A_122 : i32 to vector<16xi32>
      %parallel_loop3A_124 = arith.shrui %parallel_loop3A_117, %parallel_loop3A_123 : vector<16xi32>
      %parallel_loop3A_125 = arith.constant 16383 : i32
      %parallel_loop3A_126 = vector.broadcast %parallel_loop3A_125 : i32 to vector<16xi32>
      %parallel_loop3A_127 = arith.andi %parallel_loop3A_117, %parallel_loop3A_126 : vector<16xi32>
      %parallel_loop3A_128 = arith.constant 0 : i32
      %parallel_loop3A_129 = vector.broadcast %parallel_loop3A_128 : i32 to vector<16xi32>
      %parallel_loop3A_130 = arith.addi %parallel_loop3A_124, %parallel_loop3A_129 : vector<16xi32>
      %parallel_loop3A_131 = tpu.vector_load_idx %arg7[%parallel_loop3A_130] : memref<20000xi32, #tpu.memory_space<vmem>>[vector<16xi32>], vector<16xi32>,
      %parallel_loop3A_132 = vector.broadcast %parallel_loop3A_72 : i32 to vector<16xi32>
      %parallel_loop3A_133 = arith.andi %parallel_loop3A_131, %parallel_loop3A_132 : vector<16xi32>
      %parallel_loop3A_134 = vector.bitcast %parallel_loop3A_133 : vector<16xi32> to vector<16xf32>
      %parallel_loop3A_135 = arith.constant 16 : i32
      %parallel_loop3A_136 = vector.broadcast %parallel_loop3A_135 : i32 to vector<16xi32>
      %parallel_loop3A_137 = arith.shli %parallel_loop3A_131, %parallel_loop3A_136 : vector<16xi32>
      %parallel_loop3A_138 = vector.bitcast %parallel_loop3A_137 : vector<16xi32> to vector<16xf32>
      %parallel_loop3A_139 = arith.constant 0 : i32
      %parallel_loop3A_140 = vector.broadcast %parallel_loop3A_139 : i32 to vector<16xi32>
      %parallel_loop3A_141 = arith.addi %parallel_loop3A_127, %parallel_loop3A_140 : vector<16xi32>
      %parallel_loop3A_142 = arith.mulf %parallel_loop3A_134, %parallel_loop3A_121 : vector<16xf32>
      tpu.vector_store_idx %arg8[%parallel_loop3A_141], %parallel_loop3A_142 {add = true} : memref<40000xf32, #tpu.memory_space<vmem>>[vector<16xi32>], vector<16xf32>,
      %parallel_loop3A_143 = arith.constant 10000 : i32
      %parallel_loop3A_144 = vector.broadcast %parallel_loop3A_143 : i32 to vector<16xi32>
      %parallel_loop3A_145 = arith.addi %parallel_loop3A_127, %parallel_loop3A_144 : vector<16xi32>
      %parallel_loop3A_146 = arith.mulf %parallel_loop3A_138, %parallel_loop3A_121 : vector<16xf32>
      tpu.vector_store_idx %arg8[%parallel_loop3A_145], %parallel_loop3A_146 {add = true} : memref<40000xf32, #tpu.memory_space<vmem>>[vector<16xi32>], vector<16xf32>,
      %parallel_loop3A_147 = arith.constant 10000 : i32
      %parallel_loop3A_148 = vector.broadcast %parallel_loop3A_147 : i32 to vector<16xi32>
      %parallel_loop3A_149 = arith.addi %parallel_loop3A_124, %parallel_loop3A_148 : vector<16xi32>
      %parallel_loop3A_150 = tpu.vector_load_idx %arg7[%parallel_loop3A_149] : memref<20000xi32, #tpu.memory_space<vmem>>[vector<16xi32>], vector<16xi32>,
      %parallel_loop3A_151 = vector.broadcast %parallel_loop3A_72 : i32 to vector<16xi32>
      %parallel_loop3A_152 = arith.andi %parallel_loop3A_150, %parallel_loop3A_151 : vector<16xi32>
      %parallel_loop3A_153 = vector.bitcast %parallel_loop3A_152 : vector<16xi32> to vector<16xf32>
      %parallel_loop3A_154 = arith.constant 16 : i32
      %parallel_loop3A_155 = vector.broadcast %parallel_loop3A_154 : i32 to vector<16xi32>
      %parallel_loop3A_156 = arith.shli %parallel_loop3A_150, %parallel_loop3A_155 : vector<16xi32>
      %parallel_loop3A_157 = vector.bitcast %parallel_loop3A_156 : vector<16xi32> to vector<16xf32>
      %parallel_loop3A_158 = arith.constant 20000 : i32
      %parallel_loop3A_159 = vector.broadcast %parallel_loop3A_158 : i32 to vector<16xi32>
      %parallel_loop3A_160 = arith.addi %parallel_loop3A_127, %parallel_loop3A_159 : vector<16xi32>
      %parallel_loop3A_161 = arith.mulf %parallel_loop3A_153, %parallel_loop3A_121 : vector<16xf32>
      tpu.vector_store_idx %arg8[%parallel_loop3A_160], %parallel_loop3A_161 {add = true} : memref<40000xf32, #tpu.memory_space<vmem>>[vector<16xi32>], vector<16xf32>,
      %parallel_loop3A_162 = arith.constant 30000 : i32
      %parallel_loop3A_163 = vector.broadcast %parallel_loop3A_162 : i32 to vector<16xi32>
      %parallel_loop3A_164 = arith.addi %parallel_loop3A_127, %parallel_loop3A_163 : vector<16xi32>
      %parallel_loop3A_165 = arith.mulf %parallel_loop3A_157, %parallel_loop3A_121 : vector<16xf32>
      tpu.vector_store_idx %arg8[%parallel_loop3A_164], %parallel_loop3A_165 {add = true} : memref<40000xf32, #tpu.memory_space<vmem>>[vector<16xi32>], vector<16xf32>,
    } {sc.loop_unroll_factor = 4 : i64, sc.parallel_access}
    %dma_wait3A_73 = arith.constant 8000 : i32
    %dma_wait3A_74 = tpu.memref_slice %arg10[%dma_wait3A_73] : memref<16000xi32, #tpu.memory_space<vmem>> -> memref<8000xi32, #tpu.memory_space<vmem>>
    %dma_wait3A_75 = arith.constant 0 : i32
    %dma_wait3A_76 = tpu.memref_slice %arg4[%dma_wait3A_75] : memref<320000xi32, #tpu.memory_space<hbm>> -> memref<8000xi32, #tpu.memory_space<hbm>>
    %dma_wait3A_77 = arith.constant 8000 : i32
    %dma_wait3A_78 = tpu.memref_slice %arg10[%dma_wait3A_77] : memref<16000xi32, #tpu.memory_space<vmem>> -> memref<8000xi32, #tpu.memory_space<vmem>>
    %dma_wait3A_79 = arith.constant 0 : i32
    %dma_wait3A_80 = tpu.memref_slice %arg4[%dma_wait3A_79] : memref<320000xi32, #tpu.memory_space<hbm>> -> memref<8000xi32, #tpu.memory_space<hbm>>
    tpu.wait_dma2 semaphore(%arg14 : memref<!tpu.dma_semaphore, #tpu.memory_space<semaphore_mem>>) src(%dma_wait3A_80 : memref<8000xi32, #tpu.memory_space<hbm>>) dst(%dma_wait3A_78 : memref<8000xi32, #tpu.memory_space<vmem>>)
    %dma_wait3A_81 = arith.constant 8000 : i32
    %dma_wait3A_82 = tpu.memref_slice %arg11[%dma_wait3A_81] : memref<16000xf32, #tpu.memory_space<vmem>> -> memref<8000xf32, #tpu.memory_space<vmem>>
    %dma_wait3A_83 = arith.constant 0 : i32
    %dma_wait3A_84 = tpu.memref_slice %arg5[%dma_wait3A_83] : memref<320000xf32, #tpu.memory_space<hbm>> -> memref<8000xf32, #tpu.memory_space<hbm>>
    %dma_wait3A_85 = arith.constant 8000 : i32
    %dma_wait3A_86 = tpu.memref_slice %arg11[%dma_wait3A_85] : memref<16000xf32, #tpu.memory_space<vmem>> -> memref<8000xf32, #tpu.memory_space<vmem>>
    %dma_wait3A_87 = arith.constant 0 : i32
    %dma_wait3A_88 = tpu.memref_slice %arg5[%dma_wait3A_87] : memref<320000xf32, #tpu.memory_space<hbm>> -> memref<8000xf32, #tpu.memory_space<hbm>>
    tpu.wait_dma2 semaphore(%arg15 : memref<!tpu.dma_semaphore, #tpu.memory_space<semaphore_mem>>) src(%dma_wait3A_88 : memref<8000xf32, #tpu.memory_space<hbm>>) dst(%dma_wait3A_86 : memref<8000xf32, #tpu.memory_space<vmem>>)
    %parallel_loop3A_89 = arith.constant 0 : i32
    %parallel_loop3A_90 = arith.constant 8000 : i32
    %parallel_loop3A_91 = arith.constant 16 : i32
    %parallel_loop3A_92 = arith.constant -65536 : i32
    scf.for %parallel_loop3A_113 = %parallel_loop3A_89 to %parallel_loop3A_90 step %parallel_loop3A_91  : i32 {
      %parallel_loop3A_114 = arith.constant 8000 : i32
      %parallel_loop3A_115 = arith.addi %parallel_loop3A_114, %parallel_loop3A_113 : i32
      %parallel_loop3A_116 = arith.index_cast %parallel_loop3A_115 : i32 to index
      %parallel_loop3A_117 = tpu.vector_load %arg10[%parallel_loop3A_116] {strides = array<i32>} : memref<16000xi32, #tpu.memory_space<vmem>>, vector<16xi32>,
      %parallel_loop3A_118 = arith.constant 8000 : i32
      %parallel_loop3A_119 = arith.addi %parallel_loop3A_118, %parallel_loop3A_113 : i32
      %parallel_loop3A_120 = arith.index_cast %parallel_loop3A_119 : i32 to index
      %parallel_loop3A_121 = tpu.vector_load %arg11[%parallel_loop3A_120] {strides = array<i32>} : memref<16000xf32, #tpu.memory_space<vmem>>, vector<16xf32>,
      %parallel_loop3A_122 = arith.constant 14 : i32
      %parallel_loop3A_123 = vector.broadcast %parallel_loop3A_122 : i32 to vector<16xi32>
      %parallel_loop3A_124 = arith.shrui %parallel_loop3A_117, %parallel_loop3A_123 : vector<16xi32>
      %parallel_loop3A_125 = arith.constant 16383 : i32
      %parallel_loop3A_126 = vector.broadcast %parallel_loop3A_125 : i32 to vector<16xi32>
      %parallel_loop3A_127 = arith.andi %parallel_loop3A_117, %parallel_loop3A_126 : vector<16xi32>
      %parallel_loop3A_128 = arith.constant 0 : i32
      %parallel_loop3A_129 = vector.broadcast %parallel_loop3A_128 : i32 to vector<16xi32>
      %parallel_loop3A_130 = arith.addi %parallel_loop3A_124, %parallel_loop3A_129 : vector<16xi32>
      %parallel_loop3A_131 = tpu.vector_load_idx %arg7[%parallel_loop3A_130] : memref<20000xi32, #tpu.memory_space<vmem>>[vector<16xi32>], vector<16xi32>,
      %parallel_loop3A_132 = vector.broadcast %parallel_loop3A_92 : i32 to vector<16xi32>
      %parallel_loop3A_133 = arith.andi %parallel_loop3A_131, %parallel_loop3A_132 : vector<16xi32>
      %parallel_loop3A_134 = vector.bitcast %parallel_loop3A_133 : vector<16xi32> to vector<16xf32>
      %parallel_loop3A_135 = arith.constant 16 : i32
      %parallel_loop3A_136 = vector.broadcast %parallel_loop3A_135 : i32 to vector<16xi32>
      %parallel_loop3A_137 = arith.shli %parallel_loop3A_131, %parallel_loop3A_136 : vector<16xi32>
      %parallel_loop3A_138 = vector.bitcast %parallel_loop3A_137 : vector<16xi32> to vector<16xf32>
      %parallel_loop3A_139 = arith.constant 0 : i32
      %parallel_loop3A_140 = vector.broadcast %parallel_loop3A_139 : i32 to vector<16xi32>
      %parallel_loop3A_141 = arith.addi %parallel_loop3A_127, %parallel_loop3A_140 : vector<16xi32>
      %parallel_loop3A_142 = arith.mulf %parallel_loop3A_134, %parallel_loop3A_121 : vector<16xf32>
      tpu.vector_store_idx %arg8[%parallel_loop3A_141], %parallel_loop3A_142 {add = true} : memref<40000xf32, #tpu.memory_space<vmem>>[vector<16xi32>], vector<16xf32>,
      %parallel_loop3A_143 = arith.constant 10000 : i32
      %parallel_loop3A_144 = vector.broadcast %parallel_loop3A_143 : i32 to vector<16xi32>
      %parallel_loop3A_145 = arith.addi %parallel_loop3A_127, %parallel_loop3A_144 : vector<16xi32>
      %parallel_loop3A_146 = arith.mulf %parallel_loop3A_138, %parallel_loop3A_121 : vector<16xf32>
      tpu.vector_store_idx %arg8[%parallel_loop3A_145], %parallel_loop3A_146 {add = true} : memref<40000xf32, #tpu.memory_space<vmem>>[vector<16xi32>], vector<16xf32>,
      %parallel_loop3A_147 = arith.constant 10000 : i32
      %parallel_loop3A_148 = vector.broadcast %parallel_loop3A_147 : i32 to vector<16xi32>
      %parallel_loop3A_149 = arith.addi %parallel_loop3A_124, %parallel_loop3A_148 : vector<16xi32>
      %parallel_loop3A_150 = tpu.vector_load_idx %arg7[%parallel_loop3A_149] : memref<20000xi32, #tpu.memory_space<vmem>>[vector<16xi32>], vector<16xi32>,
      %parallel_loop3A_151 = vector.broadcast %parallel_loop3A_92 : i32 to vector<16xi32>
      %parallel_loop3A_152 = arith.andi %parallel_loop3A_150, %parallel_loop3A_151 : vector<16xi32>
      %parallel_loop3A_153 = vector.bitcast %parallel_loop3A_152 : vector<16xi32> to vector<16xf32>
      %parallel_loop3A_154 = arith.constant 16 : i32
      %parallel_loop3A_155 = vector.broadcast %parallel_loop3A_154 : i32 to vector<16xi32>
      %parallel_loop3A_156 = arith.shli %parallel_loop3A_150, %parallel_loop3A_155 : vector<16xi32>
      %parallel_loop3A_157 = vector.bitcast %parallel_loop3A_156 : vector<16xi32> to vector<16xf32>
      %parallel_loop3A_158 = arith.constant 20000 : i32
      %parallel_loop3A_159 = vector.broadcast %parallel_loop3A_158 : i32 to vector<16xi32>
      %parallel_loop3A_160 = arith.addi %parallel_loop3A_127, %parallel_loop3A_159 : vector<16xi32>
      %parallel_loop3A_161 = arith.mulf %parallel_loop3A_153, %parallel_loop3A_121 : vector<16xf32>
      tpu.vector_store_idx %arg8[%parallel_loop3A_160], %parallel_loop3A_161 {add = true} : memref<40000xf32, #tpu.memory_space<vmem>>[vector<16xi32>], vector<16xf32>,
      %parallel_loop3A_162 = arith.constant 30000 : i32
      %parallel_loop3A_163 = vector.broadcast %parallel_loop3A_162 : i32 to vector<16xi32>
      %parallel_loop3A_164 = arith.addi %parallel_loop3A_127, %parallel_loop3A_163 : vector<16xi32>
      %parallel_loop3A_165 = arith.mulf %parallel_loop3A_157, %parallel_loop3A_121 : vector<16xf32>
      tpu.vector_store_idx %arg8[%parallel_loop3A_164], %parallel_loop3A_165 {add = true} : memref<40000xf32, #tpu.memory_space<vmem>>[vector<16xi32>], vector<16xf32>,
    } {sc.loop_unroll_factor = 4 : i64, sc.parallel_access}
    %parallel_loop3A_93 = arith.constant 0 : i32
    %parallel_loop3A_94 = arith.constant 10000 : i32
    %parallel_loop3A_95 = arith.constant 16 : i32
    %parallel_loop3A_96 = arith.constant -65536 : i32
    scf.for %parallel_loop3A_113 = %parallel_loop3A_93 to %parallel_loop3A_94 step %parallel_loop3A_95  : i32 {
      %parallel_loop3A_114 = arith.index_cast %parallel_loop3A_113 : i32 to index
      %parallel_loop3A_115 = tpu.vector_load %arg9[%parallel_loop3A_114] {strides = array<i32>} : memref<10000xf32, #tpu.memory_space<vmem>>, vector<16xf32>,
      %parallel_loop3A_116 = arith.constant 0 : i32
      %parallel_loop3A_117 = arith.addi %parallel_loop3A_116, %parallel_loop3A_113 : i32
      %parallel_loop3A_118 = arith.index_cast %parallel_loop3A_117 : i32 to index
      %parallel_loop3A_119 = tpu.vector_load %arg7[%parallel_loop3A_118] {strides = array<i32>} : memref<20000xi32, #tpu.memory_space<vmem>>, vector<16xi32>,
      %parallel_loop3A_120 = vector.broadcast %parallel_loop3A_96 : i32 to vector<16xi32>
      %parallel_loop3A_121 = arith.andi %parallel_loop3A_119, %parallel_loop3A_120 : vector<16xi32>
      %parallel_loop3A_122 = vector.bitcast %parallel_loop3A_121 : vector<16xi32> to vector<16xf32>
      %parallel_loop3A_123 = arith.constant 16 : i32
      %parallel_loop3A_124 = vector.broadcast %parallel_loop3A_123 : i32 to vector<16xi32>
      %parallel_loop3A_125 = arith.shli %parallel_loop3A_119, %parallel_loop3A_124 : vector<16xi32>
      %parallel_loop3A_126 = vector.bitcast %parallel_loop3A_125 : vector<16xi32> to vector<16xf32>
      %parallel_loop3A_127 = arith.constant 0 : i32
      %parallel_loop3A_128 = arith.addi %parallel_loop3A_127, %parallel_loop3A_113 : i32
      %parallel_loop3A_129 = arith.constant 10000 : i32
      %parallel_loop3A_130 = arith.addi %parallel_loop3A_129, %parallel_loop3A_113 : i32
      %parallel_loop3A_131 = arith.index_cast %parallel_loop3A_128 : i32 to index
      %parallel_loop3A_132 = tpu.vector_load %arg8[%parallel_loop3A_131] {strides = array<i32>} : memref<40000xf32, #tpu.memory_space<vmem>>, vector<16xf32>,
      %parallel_loop3A_133 = arith.addf %parallel_loop3A_132, %parallel_loop3A_122 : vector<16xf32>
      %parallel_loop3A_134 = arith.mulf %parallel_loop3A_115, %parallel_loop3A_133 : vector<16xf32>
      %parallel_loop3A_135 = arith.index_cast %parallel_loop3A_128 : i32 to index
      %parallel_loop3A_136 = tpu.vector_load %arg8[%parallel_loop3A_135] {strides = array<i32>} : memref<40000xf32, #tpu.memory_space<vmem>>, vector<16xf32>,
      tpu.vector_store %arg8[%parallel_loop3A_135], %parallel_loop3A_134 {strides = array<i32>} : memref<40000xf32, #tpu.memory_space<vmem>>, vector<16xf32>,
      %parallel_loop3A_137 = arith.index_cast %parallel_loop3A_130 : i32 to index
      %parallel_loop3A_138 = tpu.vector_load %arg8[%parallel_loop3A_137] {strides = array<i32>} : memref<40000xf32, #tpu.memory_space<vmem>>, vector<16xf32>,
      %parallel_loop3A_139 = arith.addf %parallel_loop3A_138, %parallel_loop3A_126 : vector<16xf32>
      %parallel_loop3A_140 = arith.mulf %parallel_loop3A_115, %parallel_loop3A_139 : vector<16xf32>
      %parallel_loop3A_141 = arith.index_cast %parallel_loop3A_130 : i32 to index
      %parallel_loop3A_142 = tpu.vector_load %arg8[%parallel_loop3A_141] {strides = array<i32>} : memref<40000xf32, #tpu.memory_space<vmem>>, vector<16xf32>,
      tpu.vector_store %arg8[%parallel_loop3A_141], %parallel_loop3A_140 {strides = array<i32>} : memref<40000xf32, #tpu.memory_space<vmem>>, vector<16xf32>,
      %parallel_loop3A_143 = arith.constant 10000 : i32
      %parallel_loop3A_144 = arith.addi %parallel_loop3A_143, %parallel_loop3A_113 : i32
      %parallel_loop3A_145 = arith.index_cast %parallel_loop3A_144 : i32 to index
      %parallel_loop3A_146 = tpu.vector_load %arg7[%parallel_loop3A_145] {strides = array<i32>} : memref<20000xi32, #tpu.memory_space<vmem>>, vector<16xi32>,
      %parallel_loop3A_147 = vector.broadcast %parallel_loop3A_96 : i32 to vector<16xi32>
      %parallel_loop3A_148 = arith.andi %parallel_loop3A_146, %parallel_loop3A_147 : vector<16xi32>
      %parallel_loop3A_149 = vector.bitcast %parallel_loop3A_148 : vector<16xi32> to vector<16xf32>
      %parallel_loop3A_150 = arith.constant 16 : i32
      %parallel_loop3A_151 = vector.broadcast %parallel_loop3A_150 : i32 to vector<16xi32>
      %parallel_loop3A_152 = arith.shli %parallel_loop3A_146, %parallel_loop3A_151 : vector<16xi32>
      %parallel_loop3A_153 = vector.bitcast %parallel_loop3A_152 : vector<16xi32> to vector<16xf32>
      %parallel_loop3A_154 = arith.constant 20000 : i32
      %parallel_loop3A_155 = arith.addi %parallel_loop3A_154, %parallel_loop3A_113 : i32
      %parallel_loop3A_156 = arith.constant 30000 : i32
      %parallel_loop3A_157 = arith.addi %parallel_loop3A_156, %parallel_loop3A_113 : i32
      %parallel_loop3A_158 = arith.index_cast %parallel_loop3A_155 : i32 to index
      %parallel_loop3A_159 = tpu.vector_load %arg8[%parallel_loop3A_158] {strides = array<i32>} : memref<40000xf32, #tpu.memory_space<vmem>>, vector<16xf32>,
      %parallel_loop3A_160 = arith.addf %parallel_loop3A_159, %parallel_loop3A_149 : vector<16xf32>
      %parallel_loop3A_161 = arith.mulf %parallel_loop3A_115, %parallel_loop3A_160 : vector<16xf32>
      %parallel_loop3A_162 = arith.index_cast %parallel_loop3A_155 : i32 to index
      %parallel_loop3A_163 = tpu.vector_load %arg8[%parallel_loop3A_162] {strides = array<i32>} : memref<40000xf32, #tpu.memory_space<vmem>>, vector<16xf32>,
      tpu.vector_store %arg8[%parallel_loop3A_162], %parallel_loop3A_161 {strides = array<i32>} : memref<40000xf32, #tpu.memory_space<vmem>>, vector<16xf32>,
      %parallel_loop3A_164 = arith.index_cast %parallel_loop3A_157 : i32 to index
      %parallel_loop3A_165 = tpu.vector_load %arg8[%parallel_loop3A_164] {strides = array<i32>} : memref<40000xf32, #tpu.memory_space<vmem>>, vector<16xf32>,
      %parallel_loop3A_166 = arith.addf %parallel_loop3A_165, %parallel_loop3A_153 : vector<16xf32>
      %parallel_loop3A_167 = arith.mulf %parallel_loop3A_115, %parallel_loop3A_166 : vector<16xf32>
      %parallel_loop3A_168 = arith.index_cast %parallel_loop3A_157 : i32 to index
      %parallel_loop3A_169 = tpu.vector_load %arg8[%parallel_loop3A_168] {strides = array<i32>} : memref<40000xf32, #tpu.memory_space<vmem>>, vector<16xf32>,
      tpu.vector_store %arg8[%parallel_loop3A_168], %parallel_loop3A_167 {strides = array<i32>} : memref<40000xf32, #tpu.memory_space<vmem>>, vector<16xf32>,
    } {sc.loop_unroll_factor = 4 : i64, sc.parallel_access}
    %add3A_97 = arith.constant 0 : i32
    %add3A_98 = arith.addi %mul3A_2, %add3A_97 : i32
    %mul3A_99 = arith.constant 10000 : i32
    %mul3A_100 = arith.muli %add3A_98, %mul3A_99 : i32
    "tpu.region"() ({
      %run_scoped3A = tpu.sem_alloc : memref<!tpu.dma_semaphore, #tpu.memory_space<semaphore_mem>>
      %dma_start3A_113 = arith.constant 0 : i32
      %dma_start3A_114 = tpu.memref_slice %arg8[%dma_start3A_113] : memref<40000xf32, #tpu.memory_space<vmem>> -> memref<10000xf32, #tpu.memory_space<vmem>>
      %dma_start3A_115 = tpu.memref_slice %arg6[%mul3A_100] : memref<1280000xf32, #tpu.memory_space<hbm>> -> memref<10000xf32, #tpu.memory_space<hbm>>
      %dma_start3A_116 = tpu.memref_slice %arg6[%mul3A_100] : memref<1280000xf32, #tpu.memory_space<hbm>> -> memref<10000xf32, #tpu.memory_space<hbm>>
      %dma_start3A_117 = arith.constant 0 : i32
      %dma_start3A_118 = tpu.memref_slice %arg8[%dma_start3A_117] : memref<40000xf32, #tpu.memory_space<vmem>> -> memref<10000xf32, #tpu.memory_space<vmem>>
      tpu.enqueue_dma source(%dma_start3A_118 : memref<10000xf32, #tpu.memory_space<vmem>>) target(%dma_start3A_116 : memref<10000xf32, #tpu.memory_space<hbm>>) target_semaphore(%run_scoped3A : memref<!tpu.dma_semaphore, #tpu.memory_space<semaphore_mem>>)
      %dma_wait3A_119 = arith.constant 0 : i32
      %dma_wait3A_120 = tpu.memref_slice %arg8[%dma_wait3A_119] : memref<40000xf32, #tpu.memory_space<vmem>> -> memref<10000xf32, #tpu.memory_space<vmem>>
      %dma_wait3A_121 = tpu.memref_slice %arg6[%mul3A_100] : memref<1280000xf32, #tpu.memory_space<hbm>> -> memref<10000xf32, #tpu.memory_space<hbm>>
      %dma_wait3A_122 = tpu.memref_slice %arg6[%mul3A_100] : memref<1280000xf32, #tpu.memory_space<hbm>> -> memref<10000xf32, #tpu.memory_space<hbm>>
      %dma_wait3A_123 = arith.constant 0 : i32
      %dma_wait3A_124 = tpu.memref_slice %arg8[%dma_wait3A_123] : memref<40000xf32, #tpu.memory_space<vmem>> -> memref<10000xf32, #tpu.memory_space<vmem>>
      tpu.wait_dma2 semaphore(%run_scoped3A : memref<!tpu.dma_semaphore, #tpu.memory_space<semaphore_mem>>) src(%dma_wait3A_124 : memref<10000xf32, #tpu.memory_space<vmem>>) dst(%dma_wait3A_122 : memref<10000xf32, #tpu.memory_space<hbm>>)
      tpu.yield
    }) : () -> ()
    %add3A_101 = arith.constant 1 : i32
    %add3A_102 = arith.addi %mul3A_2, %add3A_101 : i32
    %mul3A_103 = arith.constant 10000 : i32
    %mul3A_104 = arith.muli %add3A_102, %mul3A_103 : i32
    "tpu.region"() ({
      %run_scoped3A = tpu.sem_alloc : memref<!tpu.dma_semaphore, #tpu.memory_space<semaphore_mem>>
      %dma_start3A_113 = arith.constant 10000 : i32
      %dma_start3A_114 = tpu.memref_slice %arg8[%dma_start3A_113] : memref<40000xf32, #tpu.memory_space<vmem>> -> memref<10000xf32, #tpu.memory_space<vmem>>
      %dma_start3A_115 = tpu.memref_slice %arg6[%mul3A_104] : memref<1280000xf32, #tpu.memory_space<hbm>> -> memref<10000xf32, #tpu.memory_space<hbm>>
      %dma_start3A_116 = tpu.memref_slice %arg6[%mul3A_104] : memref<1280000xf32, #tpu.memory_space<hbm>> -> memref<10000xf32, #tpu.memory_space<hbm>>
      %dma_start3A_117 = arith.constant 10000 : i32
      %dma_start3A_118 = tpu.memref_slice %arg8[%dma_start3A_117] : memref<40000xf32, #tpu.memory_space<vmem>> -> memref<10000xf32, #tpu.memory_space<vmem>>
      tpu.enqueue_dma source(%dma_start3A_118 : memref<10000xf32, #tpu.memory_space<vmem>>) target(%dma_start3A_116 : memref<10000xf32, #tpu.memory_space<hbm>>) target_semaphore(%run_scoped3A : memref<!tpu.dma_semaphore, #tpu.memory_space<semaphore_mem>>)
      %dma_wait3A_119 = arith.constant 10000 : i32
      %dma_wait3A_120 = tpu.memref_slice %arg8[%dma_wait3A_119] : memref<40000xf32, #tpu.memory_space<vmem>> -> memref<10000xf32, #tpu.memory_space<vmem>>
      %dma_wait3A_121 = tpu.memref_slice %arg6[%mul3A_104] : memref<1280000xf32, #tpu.memory_space<hbm>> -> memref<10000xf32, #tpu.memory_space<hbm>>
      %dma_wait3A_122 = tpu.memref_slice %arg6[%mul3A_104] : memref<1280000xf32, #tpu.memory_space<hbm>> -> memref<10000xf32, #tpu.memory_space<hbm>>
      %dma_wait3A_123 = arith.constant 10000 : i32
      %dma_wait3A_124 = tpu.memref_slice %arg8[%dma_wait3A_123] : memref<40000xf32, #tpu.memory_space<vmem>> -> memref<10000xf32, #tpu.memory_space<vmem>>
      tpu.wait_dma2 semaphore(%run_scoped3A : memref<!tpu.dma_semaphore, #tpu.memory_space<semaphore_mem>>) src(%dma_wait3A_124 : memref<10000xf32, #tpu.memory_space<vmem>>) dst(%dma_wait3A_122 : memref<10000xf32, #tpu.memory_space<hbm>>)
      tpu.yield
    }) : () -> ()
    %add3A_105 = arith.constant 2 : i32
    %add3A_106 = arith.addi %mul3A_2, %add3A_105 : i32
    %mul3A_107 = arith.constant 10000 : i32
    %mul3A_108 = arith.muli %add3A_106, %mul3A_107 : i32
    "tpu.region"() ({
      %run_scoped3A = tpu.sem_alloc : memref<!tpu.dma_semaphore, #tpu.memory_space<semaphore_mem>>
      %dma_start3A_113 = arith.constant 20000 : i32
      %dma_start3A_114 = tpu.memref_slice %arg8[%dma_start3A_113] : memref<40000xf32, #tpu.memory_space<vmem>> -> memref<10000xf32, #tpu.memory_space<vmem>>
      %dma_start3A_115 = tpu.memref_slice %arg6[%mul3A_108] : memref<1280000xf32, #tpu.memory_space<hbm>> -> memref<10000xf32, #tpu.memory_space<hbm>>
      %dma_start3A_116 = tpu.memref_slice %arg6[%mul3A_108] : memref<1280000xf32, #tpu.memory_space<hbm>> -> memref<10000xf32, #tpu.memory_space<hbm>>
      %dma_start3A_117 = arith.constant 20000 : i32
      %dma_start3A_118 = tpu.memref_slice %arg8[%dma_start3A_117] : memref<40000xf32, #tpu.memory_space<vmem>> -> memref<10000xf32, #tpu.memory_space<vmem>>
      tpu.enqueue_dma source(%dma_start3A_118 : memref<10000xf32, #tpu.memory_space<vmem>>) target(%dma_start3A_116 : memref<10000xf32, #tpu.memory_space<hbm>>) target_semaphore(%run_scoped3A : memref<!tpu.dma_semaphore, #tpu.memory_space<semaphore_mem>>)
      %dma_wait3A_119 = arith.constant 20000 : i32
      %dma_wait3A_120 = tpu.memref_slice %arg8[%dma_wait3A_119] : memref<40000xf32, #tpu.memory_space<vmem>> -> memref<10000xf32, #tpu.memory_space<vmem>>
      %dma_wait3A_121 = tpu.memref_slice %arg6[%mul3A_108] : memref<1280000xf32, #tpu.memory_space<hbm>> -> memref<10000xf32, #tpu.memory_space<hbm>>
      %dma_wait3A_122 = tpu.memref_slice %arg6[%mul3A_108] : memref<1280000xf32, #tpu.memory_space<hbm>> -> memref<10000xf32, #tpu.memory_space<hbm>>
      %dma_wait3A_123 = arith.constant 20000 : i32
      %dma_wait3A_124 = tpu.memref_slice %arg8[%dma_wait3A_123] : memref<40000xf32, #tpu.memory_space<vmem>> -> memref<10000xf32, #tpu.memory_space<vmem>>
      tpu.wait_dma2 semaphore(%run_scoped3A : memref<!tpu.dma_semaphore, #tpu.memory_space<semaphore_mem>>) src(%dma_wait3A_124 : memref<10000xf32, #tpu.memory_space<vmem>>) dst(%dma_wait3A_122 : memref<10000xf32, #tpu.memory_space<hbm>>)
      tpu.yield
    }) : () -> ()
    %add3A_109 = arith.constant 3 : i32
    %add3A_110 = arith.addi %mul3A_2, %add3A_109 : i32
    %mul3A_111 = arith.constant 10000 : i32
    %mul3A_112 = arith.muli %add3A_110, %mul3A_111 : i32
    "tpu.region"() ({
      %run_scoped3A = tpu.sem_alloc : memref<!tpu.dma_semaphore, #tpu.memory_space<semaphore_mem>>
      %dma_start3A_113 = arith.constant 30000 : i32
      %dma_start3A_114 = tpu.memref_slice %arg8[%dma_start3A_113] : memref<40000xf32, #tpu.memory_space<vmem>> -> memref<10000xf32, #tpu.memory_space<vmem>>
      %dma_start3A_115 = tpu.memref_slice %arg6[%mul3A_112] : memref<1280000xf32, #tpu.memory_space<hbm>> -> memref<10000xf32, #tpu.memory_space<hbm>>
      %dma_start3A_116 = tpu.memref_slice %arg6[%mul3A_112] : memref<1280000xf32, #tpu.memory_space<hbm>> -> memref<10000xf32, #tpu.memory_space<hbm>>
      %dma_start3A_117 = arith.constant 30000 : i32
      %dma_start3A_118 = tpu.memref_slice %arg8[%dma_start3A_117] : memref<40000xf32, #tpu.memory_space<vmem>> -> memref<10000xf32, #tpu.memory_space<vmem>>
      tpu.enqueue_dma source(%dma_start3A_118 : memref<10000xf32, #tpu.memory_space<vmem>>) target(%dma_start3A_116 : memref<10000xf32, #tpu.memory_space<hbm>>) target_semaphore(%run_scoped3A : memref<!tpu.dma_semaphore, #tpu.memory_space<semaphore_mem>>)
      %dma_wait3A_119 = arith.constant 30000 : i32
      %dma_wait3A_120 = tpu.memref_slice %arg8[%dma_wait3A_119] : memref<40000xf32, #tpu.memory_space<vmem>> -> memref<10000xf32, #tpu.memory_space<vmem>>
      %dma_wait3A_121 = tpu.memref_slice %arg6[%mul3A_112] : memref<1280000xf32, #tpu.memory_space<hbm>> -> memref<10000xf32, #tpu.memory_space<hbm>>
      %dma_wait3A_122 = tpu.memref_slice %arg6[%mul3A_112] : memref<1280000xf32, #tpu.memory_space<hbm>> -> memref<10000xf32, #tpu.memory_space<hbm>>
      %dma_wait3A_123 = arith.constant 30000 : i32
      %dma_wait3A_124 = tpu.memref_slice %arg8[%dma_wait3A_123] : memref<40000xf32, #tpu.memory_space<vmem>> -> memref<10000xf32, #tpu.memory_space<vmem>>
      tpu.wait_dma2 semaphore(%run_scoped3A : memref<!tpu.dma_semaphore, #tpu.memory_space<semaphore_mem>>) src(%dma_wait3A_124 : memref<10000xf32, #tpu.memory_space<vmem>>) dst(%dma_wait3A_122 : memref<10000xf32, #tpu.memory_space<hbm>>)
      tpu.yield
    }) : () -> ()
    return
  }
}

module attributes {stable_mosaic.version = 14 : i64} {
  func.func @_k2a_body(%arg0: memref<10000x128xf32, #tpu.memory_space<vmem>>, %arg1: memref<128x128xf32, #tpu.memory_space<vmem>>, %arg2: memref<128x10000xf32, #tpu.memory_space<vmem>>) attributes {dimension_semantics = [], scalar_prefetch = 0 : i64, scratch_operands = 0 : i64, tpu.core_type = #tpu.core_type<tc>} {
    %get3A = arith.constant 0 : index
    %get3A_0 = arith.constant 0 : index
    %get3A_1 = vector.load %arg1[%get3A, %get3A_0] : memref<128x128xf32, #tpu.memory_space<vmem>>, vector<128x128xf32>
    %get3A_2 = arith.constant 0 : index
    %get3A_3 = arith.constant 0 : index
    %get3A_4 = vector.load %arg0[%get3A_2, %get3A_3] : memref<10000x128xf32, #tpu.memory_space<vmem>>, vector<10000x128xf32>
    %dot_general3A = arith.constant dense<0.000000e+00> : vector<128x10000xf32>
    %dot_general3A_5 = tpu.matmul %get3A_1, %get3A_4, %dot_general3A {dimension_numbers = #tpu.dot_dimension_numbers<[0], [1], [1], [0], [0, 1, 1, 0], [], []>, transpose_lhs_hint = false} : vector<128x128xf32>, vector<10000x128xf32>, vector<128x10000xf32> -> vector<128x10000xf32>
    %swap3A = arith.constant 0 : index
    %swap3A_6 = arith.constant 0 : index
    %swap3A_7 = vector.load %arg2[%swap3A, %swap3A_6] : memref<128x10000xf32, #tpu.memory_space<vmem>>, vector<128x10000xf32>
    tpu.vector_store %arg2[%swap3A, %swap3A_6], %dot_general3A_5 {strides = array<i32>} : memref<128x10000xf32, #tpu.memory_space<vmem>>, vector<128x10000xf32>,
    return
  }
}

module attributes {stable_mosaic.version = 14 : i64} {
  func.func @_k2b_body(%arg0: memref<128x10000xf32, #tpu.memory_space<vmem>>, %arg1: memref<32x10000xf32, #tpu.memory_space<vmem>>, %arg2: memref<64x10000xi32, #tpu.memory_space<vmem>>, %arg3: memref<1x10000xf32, #tpu.memory_space<vmem>>) attributes {dimension_semantics = [], scalar_prefetch = 0 : i64, scratch_operands = 0 : i64, tpu.core_type = #tpu.core_type<tc>} {
    %get3A = arith.constant 0 : index
    %get3A_0 = arith.constant 0 : index
    %get3A_1 = vector.load %arg1[%get3A, %get3A_0] : memref<32x10000xf32, #tpu.memory_space<vmem>>, vector<32x10000xf32>
    %reduce_sum3A = arith.constant dense<0.000000e+00> : vector<10000xf32>
    %reduce_sum3A_2 = vector.multi_reduction <add>, %get3A_1, %reduce_sum3A [0] : vector<32x10000xf32> to vector<10000xf32>
    %add3A = arith.constant 1.000000e+00 : f32
    %add3A_3 = vector.broadcast %add3A : f32 to vector<10000xf32>
    %add3A_4 = arith.addf %add3A_3, %reduce_sum3A_2 : vector<10000xf32>
    %rsqrt3A = math.rsqrt %add3A_4 : vector<10000xf32>
    %get3A_5 = arith.constant 0 : index
    %get3A_6 = arith.constant 0 : index
    %get3A_7 = vector.load %arg0[%get3A_5, %get3A_6] : memref<128x10000xf32, #tpu.memory_space<vmem>>, vector<64x10000xf32>
    %broadcast_in_dim3A = vector.shape_cast %rsqrt3A : vector<10000xf32> to vector<1x10000xf32>
    %mul3A = vector.broadcast %broadcast_in_dim3A : vector<1x10000xf32> to vector<64x10000xf32>
    %mul3A_8 = arith.mulf %get3A_7, %mul3A : vector<64x10000xf32>
    %get3A_9 = arith.constant 64 : index
    %get3A_10 = arith.constant 0 : index
    %get3A_11 = vector.load %arg0[%get3A_9, %get3A_10] : memref<128x10000xf32, #tpu.memory_space<vmem>>, vector<64x10000xf32>
    %broadcast_in_dim3A_12 = vector.shape_cast %rsqrt3A : vector<10000xf32> to vector<1x10000xf32>
    %mul3A_13 = vector.broadcast %broadcast_in_dim3A_12 : vector<1x10000xf32> to vector<64x10000xf32>
    %mul3A_14 = arith.mulf %get3A_11, %mul3A_13 : vector<64x10000xf32>
    %convert_element_type3A = arith.truncf %mul3A_8 : vector<64x10000xf32> to vector<64x10000xbf16>
    %bitcast_convert_type3A = tpu.bitcast %convert_element_type3A : vector<64x10000xbf16> -> vector<64x10000xi16>
    %convert_element_type3A_15 = arith.extui %bitcast_convert_type3A : vector<64x10000xi16> to vector<64x10000xi32>
    %convert_element_type3A_16 = arith.truncf %mul3A_14 : vector<64x10000xf32> to vector<64x10000xbf16>
    %bitcast_convert_type3A_17 = tpu.bitcast %convert_element_type3A_16 : vector<64x10000xbf16> -> vector<64x10000xi16>
    %convert_element_type3A_18 = arith.extui %bitcast_convert_type3A_17 : vector<64x10000xi16> to vector<64x10000xi32>
    %shift_left3A = arith.constant 16 : i32
    %shift_left3A_19 = vector.broadcast %shift_left3A : i32 to vector<64x10000xi32>
    %shift_left3A_20 = arith.shli %convert_element_type3A_15, %shift_left3A_19 : vector<64x10000xi32>
    %or3A = arith.ori %shift_left3A_20, %convert_element_type3A_18 : vector<64x10000xi32>
    %bitcast_convert_type3A_21 = tpu.bitcast %or3A : vector<64x10000xi32> -> vector<64x10000xi32>
    %swap3A = arith.constant 0 : index
    %swap3A_22 = arith.constant 0 : index
    %swap3A_23 = vector.load %arg2[%swap3A, %swap3A_22] : memref<64x10000xi32, #tpu.memory_space<vmem>>, vector<64x10000xi32>
    tpu.vector_store %arg2[%swap3A, %swap3A_22], %bitcast_convert_type3A_21 {strides = array<i32>} : memref<64x10000xi32, #tpu.memory_space<vmem>>, vector<64x10000xi32>,
    %broadcast_in_dim3A_24 = vector.shape_cast %rsqrt3A : vector<10000xf32> to vector<1x10000xf32>
    %swap3A_25 = arith.constant 0 : index
    %swap3A_26 = arith.constant 0 : index
    %swap3A_27 = vector.load %arg3[%swap3A_25, %swap3A_26] : memref<1x10000xf32, #tpu.memory_space<vmem>>, vector<1x10000xf32>
    tpu.vector_store %arg3[%swap3A_25, %swap3A_26], %broadcast_in_dim3A_24 {strides = array<i32>} : memref<1x10000xf32, #tpu.memory_space<vmem>>, vector<1x10000xf32>,
    return
  }
}

module attributes {stable_mosaic.version = 14 : i64} {
  func.func @_k4_body(%arg0: memref<128x10000xf32, #tpu.memory_space<vmem>>, %arg1: memref<1x128xf32, #tpu.memory_space<vmem>>, %arg2: memref<10000x128xf32, #tpu.memory_space<vmem>>) attributes {dimension_semantics = [], scalar_prefetch = 0 : i64, scratch_operands = 0 : i64, tpu.core_type = #tpu.core_type<tc>} {
    %get3A = arith.constant 0 : index
    %get3A_0 = arith.constant 0 : index
    %get3A_1 = vector.load %arg0[%get3A, %get3A_0] : memref<128x10000xf32, #tpu.memory_space<vmem>>, vector<128x10000xf32>
    %transpose3A = tpu.transpose %get3A_1, [1, 0] : vector<128x10000xf32> -> vector<10000x128xf32>
    %get3A_2 = arith.constant 0 : index
    %get3A_3 = arith.constant 0 : index
    %get3A_4 = vector.load %arg1[%get3A_2, %get3A_3] : memref<1x128xf32, #tpu.memory_space<vmem>>, vector<1x128xf32>
    %add3A = vector.broadcast %get3A_4 : vector<1x128xf32> to vector<10000x128xf32>
    %add3A_5 = arith.addf %transpose3A, %add3A : vector<10000x128xf32>
    %swap3A = arith.constant 0 : index
    %swap3A_6 = arith.constant 0 : index
    %swap3A_7 = vector.load %arg2[%swap3A, %swap3A_6] : memref<10000x128xf32, #tpu.memory_space<vmem>>, vector<10000x128xf32>
    tpu.vector_store %arg2[%swap3A, %swap3A_6], %add3A_5 {strides = array<i32>} : memref<10000x128xf32, #tpu.memory_space<vmem>>, vector<10000x128xf32>,
    return
  }
}

</mosaic_0001>

<sc_bundles>
// kernel: kernel.10.cloned.1.call-start
scs
__scs_entry_jumppad:
0x0: {  	(pc) =	sbr.rel $0x88, $3  }
0x1: {  	(tag) =	ssettag $0x0;
	lr =	simm.s32 $0x1  }
0x2: {  	[smem:$0x3F9C] =	sst lr;
	_ =	strace $0xD0000000  }
0x3: {  	_ = 	snop  }
0x4: {  	_ = 	snop  }
0x5: {  	_ = 	snop  }
0x6: {  	_ = 	snop  }
0x7: {  	_ = 	snop  }
__scs_overlays_trampoline_lowered:
0x8: {  	[smem:$0x3FAB] =	sst s0  }
0x9: {  	[smem:$0x3FAC] =	sst s1  }
0xa: {  	[smem:$0x3FAD] =	sst s2  }
0xb: {  	[smem:$0x3FAE] =	sst s3  }
0xc: {  	[smem:$0x3FAF] =	sst s4  }
0xd: {  	[smem:$0x3FB0] =	sst s5  }
0xe: {  	[smem:$0x3FB1] =	sst s6  }
0xf: {  	[smem:$0x3FB2] =	sst s7  }
0x10: {  	[smem:$0x3FB3] =	sst s8  }
0x11: {  	[smem:$0x3FB4] =	sst s9;
	s0 =	simm.s32 @!p0 $0x0  }
0x12: {  	s1 =	sld [smem:$0x3F9A];
	s0 =	simm.s32 @p0 $0x1  }
0x13: {  	[smem:$0x3FB5] =	sst s0;
	s0 =	simm.s32 @!p1 $0x0  }
0x14: {  	s2 =	sld [smem:$0x3F99];
	s0 =	simm.s32 @p1 $0x1  }
0x15: {  	[smem:$0x3FB6] =	sst s0;
	s0 =	simm.s32 @!p2 $0x0  }
0x16: {  	s3 =	sld [smem:$0x3FDB];
	s0 =	simm.s32 @p2 $0x1  }
0x17: {  	s4 =	simm.s32 $0x1BF5;
	[smem:$0x3FB8] =	sst s0  }
0x18: {  	s0 =	sld [smem:$0x3F9B];
	_ =	swait.ge [sflag:s4], $0x0  }
0x19: {  	s7 =	sld [smem:$0x3F9C]  }
0x1a: {  	s8 =	sadd.s32 $0xFFFFE003, lr  }
0x1b: {  	s9 =	sadd.s32 $0xFFFFFEF7, lr;
	s5 =	simm.s32 $0xFFFFFFFF;
	p2 =	slt.u32 s8, $0xFFFFF086  }
0x1c: {  	p1 =	slt.u32 s9, $0xF7A;
	s5 =	simm.s32 @!p2 $0x0  }
0x1d: {  	s5 =	simm.s32 @p1 $0x1;
	p0 =	seq.s32 s7, s2  }
0x1e: {  	s7 =	smul.u32 @!p0 $0xF7A, s2;
	p2 =	seq.s32 @!p0 s5, $0x0  }
0x1f: {  	s9 =	smul.u32 $0xF7A, s1;
	s8 =	simm.s32 @!p0 $0x1BF5;
	p2 =	por !p2, p0  }
0x20: {  	[sflag:s8] =	ssyncset.s32 @!p0 $0xFFFFF086;
	s6 =	sadd.s32 @!p0 s3, s7;
	s7 =	simm.s32 @!p0 $0x108  }
0x21: {  	s3 =	sadd.s32 s3, s9;
	s6 =	sadd.s32 @!p0 $0x88, s6;
	s7 =	simm.s32 @p2 $0x1082  }
0x22: {  	[simem:s7], [sflag:s8] =	dma.local @!p0 [hbm:s6], $0xF7A  }
0x23: {  	s9 =	sor.u32 $0xD0000000, s2;
	s6 =	simm.s32 $0x108;
	_ =	swait.ge @!p0 [sflag:s8], $0x0  }
0x24: {  	s3 =	sadd.s32 $0x88, s3;
	s6 =	simm.s32 @!p1 $0x1082;
	[sflag:s4] =	ssyncset.s32 $0xFFFFF086  }
0x25: {  	[simem:s6], [sflag:s4] =	dma.local [hbm:s3], $0xF7A  }
0x26: {  	[smem:$0x3F9C] =	sst s1;
	(tag) =	ssettag s2;
	_ =	strace s9  }
0x27: {  	s1 =	sld [smem:$0x3FAC]  }
0x28: {  	s2 =	sld [smem:$0x3FAD]  }
0x29: {  	s4 =	sld [smem:$0x3FAF]  }
0x2a: {  	p0 =	seq.s32 s5, $0x0;
	s5 =	sld [smem:$0x3FB0]  }
0x2b: {  	s6 =	sld [smem:$0x3FB1]  }
0x2c: {  	s7 =	sld [smem:$0x3FB2]  }
0x2d: {  	s3 =	simm.s32 $0x108;
	s8 =	sld [smem:$0x3FB3]  }
0x2e: {  	s3 =	simm.s32 @!p0 $0x1082;
	s9 =	sld [smem:$0x3FB4]  }
0x2f: {  	lr =	sadd.s32 s0, s3;
	s0 =	sld [smem:$0x3FAB]  }
0x30: {  	s3 =	sld [smem:$0x3FAE]  }
0x31: {  	[smem:$0x3FB7] =	sst s10  }
0x32: {  	s10 =	sld [smem:$0x3FB5];
	_ =	sdelay $0x3  }
0x33: {  	p0 =	seq.s32 s10, $0x1;
	s10 =	sld [smem:$0x3FB7];
	_ =	sdelay $0x3  }
0x34: {  	[smem:$0x3FB7] =	sst s10  }
0x35: {  	s10 =	sld [smem:$0x3FB6];
	_ =	sdelay $0x3  }
0x36: {  	p1 =	seq.s32 s10, $0x1;
	s10 =	sld [smem:$0x3FB7];
	_ =	sdelay $0x3  }
0x37: {  	[smem:$0x3FB7] =	sst s10  }
0x38: {  	s10 =	sld [smem:$0x3FB8]  }
0x39: {  	_ = 	snop;
	(pc) =	sbr.ind lr, $3  }
0x3a: {  	_ = 	snop  }
0x3b: {  	_ = 	snop  }
0x3c: {  	p2 =	seq.s32 s10, $0x1;
	s10 =	sld [smem:$0x3FB7]  }
0x3d: {  	_ =	shalt  }
0x3e: {  	_ =	shalt  }
0x3f: {  	_ =	shalt  }
0x40: {  	_ =	shalt  }
0x41: {  	_ =	shalt  }
0x42: {  	_ =	shalt  }
0x43: {  	_ =	shalt  }
0x44: {  	_ =	shalt  }
0x45: {  	_ =	shalt  }
0x46: {  	_ =	shalt  }
0x47: {  	_ =	shalt  }
0x48: {  	_ =	shalt  }
0x49: {  	_ =	shalt  }
0x4a: {  	_ =	shalt  }
0x4b: {  	_ =	shalt  }
0x4c: {  	_ =	shalt  }
0x4d: {  	_ =	shalt  }
0x4e: {  	_ =	shalt  }
0x4f: {  	_ =	shalt  }
0x50: {  	_ =	shalt  }
0x51: {  	_ =	shalt  }
0x52: {  	_ =	shalt  }
0x53: {  	_ =	shalt  }
0x54: {  	_ =	shalt  }
0x55: {  	_ =	shalt  }
0x56: {  	_ =	shalt  }
0x57: {  	_ =	shalt  }
0x58: {  	_ =	shalt  }
0x59: {  	_ =	shalt  }
0x5a: {  	_ =	shalt  }
0x5b: {  	_ =	shalt  }
0x5c: {  	_ =	shalt  }
0x5d: {  	_ =	shalt  }
0x5e: {  	_ =	shalt  }
0x5f: {  	_ =	shalt  }
0x60: {  	_ =	shalt  }
0x61: {  	_ =	shalt  }
0x62: {  	_ =	shalt  }
0x63: {  	_ =	shalt  }
0x64: {  	_ =	shalt  }
0x65: {  	_ =	shalt  }
0x66: {  	_ =	shalt  }
0x67: {  	_ =	shalt  }
0x68: {  	_ =	shalt  }
0x69: {  	_ =	shalt  }
0x6a: {  	_ =	shalt  }
0x6b: {  	_ =	shalt  }
0x6c: {  	_ =	shalt  }
0x6d: {  	_ =	shalt  }
0x6e: {  	_ =	shalt  }
0x6f: {  	_ =	shalt  }
0x70: {  	_ =	shalt  }
0x71: {  	_ =	shalt  }
0x72: {  	_ =	shalt  }
0x73: {  	_ =	shalt  }
0x74: {  	_ =	shalt  }
0x75: {  	_ =	shalt  }
0x76: {  	_ =	shalt  }
0x77: {  	_ =	shalt  }
0x78: {  	_ =	shalt  }
0x79: {  	_ =	shalt  }
0x7a: {  	_ =	shalt  }
0x7b: {  	_ =	shalt  }
0x7c: {  	_ =	shalt  }
0x7d: {  	_ =	shalt  }
0x7e: {  	_ =	shalt  }
0x7f: {  	_ =	shalt  }
0x80: {  	_ =	shalt  }
0x81: {  	_ =	shalt  }
0x82: {  	_ =	shalt  }
0x83: {  	_ =	shalt  }
0x84: {  	_ =	shalt  }
0x85: {  	_ =	shalt  }
0x86: {  	_ =	shalt  }
0x87: {  	_ =	shalt  }
.Lfunc_end0:
.L_simem_size_0:
called_computation.1_lowered:
.L_overlay_start_0:
0x88: {  	s2 =	sld [smem:$0x3FD9]  }
0x89: {  	s3 =	sld [smem:$0x3FFE];
	_ =	sdelay $0x1  }
0x8a: {  	s1 =	srdreg.scid  }
0x8b: {  	s0 =	sand.u32 $0x1, s1  }
0x8c: {  	s17 =	sshll.u32 s0, $0xA;
	s2 =	sadd.s32 s3, s2  }
0x8d: {  	s2 =	sadd.s32 s2, s17  }
0x8e: {  	[smem:$0x3FC3] =	sst s2  }
0x8f: {  	_ = 	snop  }
0x90: {  	s2 =	sld [smem:$0x3FC7]  }
0x91: {  	s18 =	sld [smem:$0x3FD0];
	(tm) =	ssettm $0x1  }
0x92: {  	s4 =	sld [smem:$0x3FFB];
	_ =	sdelay $0x3  }
0x93: {  	_ =	strace s4  }
0x94: {  	s4 =	sld [smem:$0x3FFC];
	_ =	sdelay $0x3  }
0x95: {  	_ =	strace s4  }
0x96: {  	s4 =	sld [smem:$0x3FFD];
	_ =	sdelay $0x3  }
0x97: {  	_ =	strace s4  }
0x98: {  	_ =	strace $0x8FFFFFFF  }
0x99: {  	s19 =	sld [smem:$0x3FDB];
	_ =	sdelay $0x1  }
0x9a: {  	s5 =	simm.s32 $_scs_section_size  }
0x9b: {  	s6 =	simm.s32 $_size__tile_overlayer_lowered;
	s7 =	simm.s32 $_tile_overlayer_lowered  }
0x9c: {  	s22 =	simm.s32 $0x1BFF;
	s21 =	sshll.u32 s7, $0x1;
	s4 =	sadd.s32 s5, s19  }
0x9d: {  	s8 =	simm.s32 $0x0;
	s20 =	sshll.u32 s6, $0x1;
	s6 =	sadd.s32 s21, s4  }
0x9e: {  	[timem:s8], [sflag:s22] =	dma.local [hbm:s6], s20  }
0x9f: {  	_ =	swait.ge [sflag:s22], s20  }
0xa0: {  	s5 =	ssub.s32 $0x0, s20;
	[sflag:s22] =	ssyncset.done $0x0  }
0xa1: {  	[sflag:s22] =	ssyncadd.s32 s5;
	_ =	sdelay $0x1  }
0xa2: {  	s23 =	simm.s32 $0x1B8B  }
0xa3: {  	_ =	swait.ge [sflag:s23], $0x1  }
0xa4: {  	[sflag:s23] =	ssyncset.done $0x0  }
0xa5: {  	s25 =	simm.s32 $0x1B8E;
	s24 =	sld [smem:$0x3FFE];
	[sflag:s23] =	ssyncadd.s32 $0xFFFFFFFF  }
0xa6: {  	s26 =	simm.s32 $execute0_lowered;
	[smem:$0x3FD2] =	sst s25  }
0xa7: {  	s6 =	sshll.u32 s26, $0x1;
	_ =	strace $0x80000049;
	[dreg:$0x1] =	wrdreg $0xFFFFFFFF  }
0xa8: {  	s28 =	simm.s32 $_size_execute0_lowered;
	s4 =	sadd.s32 s4, s6;
	[dreg:$0x0] =	wrdreg $0x0  }
0xa9: {  	s6 =	sshll.u32 s28, $0x1;
	[dreg:$0x2] =	wrdreg s4  }
0xaa: {  	[dreg:$0x3] =	wrdreg s6  }
0xab: {  	[dreg:$0x4] =	wrdreg $0xC0  }
0xac: {  	_ =	task [dreg:s8], $0x5FFFF  }
0xad: {  	[dreg:$0x1] =	wrdreg $0xFFFFFFFF  }
0xae: {  	[dreg:$0x0] =	wrdreg $0x60  }
0xaf: {  	[dreg:$0x2] =	wrdreg s24  }
0xb0: {  	[dreg:$0x3] =	wrdreg s2  }
0xb1: {  	[dreg:$0x4] =	wrdreg s18  }
0xb2: {  	[dreg:$0x5] =	wrdreg $0x9  }
0xb3: {  	_ =	task.clear_ibuf [dreg:s8], $0x6FFFF;
	_ =	strace $0x90000049  }
0xb4: {  	s29 =	simm.s32 $0x9;
	_ =	strace $0x8000004B  }
0xb5: {  	_ =	swait.ge [sflag:s29], $0x1  }
0xb6: {  	[sflag:s29] =	ssyncadd.s32 $0xFFFFFFFF  }
0xb7: {  	_ =	strace $0x9000004B  }
0xb8: {  	_ =	sfence  }
0xb9: {  	s30 =	sld [smem:$0x0];
	_ =	sdelay $0x2  }
0xba: {  	s31 =	sshll.u32 s1, $0xD;
	s1 =	sshrl.u32 s1, $0x2  }
0xbb: {  	s3 =	sand.u32 $0x4000, s31;
	s1 =	sadd.s32 s1, s30  }
0xbc: {  	s0 =	sor.u32 s3, s0;
	s1 =	sshll.u32 s1, $0x11  }
0xbd: {  	s0 =	sor.u32 s1, s0  }
0xbe: {  	s0 =	sadd.s32 $0x8F2B, s0  }
0xbf: {  	[sflag:s0] =	ssyncadd.remote.s32 $0x1  }
0xc0: {  	_ =	sfence.sel $0xFFFF  }
0xc1: {  	[dreg:$0x0] =	wrdreg $0xFFFFFFFF;
	(pc) =	sbr.abs _section_cstart, $3  }
0xc2: {  	[dreg:$0x1] =	wrdreg $0xFFFFFFFF  }
0xc3: {  	_ =	task.clear_ibuf [dreg:s8], $0x2FFFF;
	_ =	strace $0x9FFFFFFF  }
0xc4: {  	(tm) =	ssettm $0x7FFFFFFF  }
0xc5: {  	_ =	shalt  }
tec
execute0_lowered:
.L_overlay_start_1:
0x0: {  	(tag) =	ssettag $0x1  }
0x1: {  	s0 =	rddreg [dreg:$0x0]  }
0x2: {  	s1 =	rddreg [dreg:$0x1]  }
0x3: {  	s3 =	rddreg [dreg:$0x2];
	s2 =	simm.s32 $0x0;
	s4 =	srdreg.scid  }
0x4: {  	s9 =	stileid.u32;
	s15 =	simm.s32 $0x11280;
	s16 =	simm.s32 $0x15100  }
0x5: {  	s17 =	simm.s32 $0x131C0;
	s18 =	simm.s32 $0x17040;
	s19 =	simm.s32 $0x5  }
0x6: {  	s22 =	simm.s32 $0x1;
	s23 =	simm.s32 $0x2;
	s24 =	simm.s32 $0x4E80  }
0x7: {  	s25 =	simm.s32 $0x3;
	s29 =	simm.s32 $0x9CA0;
	s5 =	sand.u32 $0x1, s4  }
0x8: {  	s30 =	simm.s32 $0xC3B0;
	s31 =	simm.s32 $0x0;
	s6 =	sshll.u32 s5, $0x4  }
0x9: {  	[smem:$0x7FF] =	sst s2;
	s8 =	sadd.s32 $0x14600, s0;
	s9 =	sor.u32 s9, s6  }
0xa: {  	s4 =	sadd.s32 $0xA00, s0;
	_ =	strace $0x8000004A;
	s10 =	smul.u32 $0x4E20, s9  }
0xb: {  	s7 =	ssub.s32 $0x2, s5;
	s5 =	sadd.s32 $0xA800, s0;
	s28 =	smul.u32 $0x9C40, s9  }
0xc: {  	s26 =	sshrl.u32 s7, $0x1;
	s6 =	sadd.s32 $0xABE8, s0;
	s11 =	smul.u32 $0x9C4, s9  }
0xd: {  	s14 =	ssub.s32 s7, s26;
	s7 =	sadd.s32 $0x3E8, s1;
	s12 =	smul.u32 $0x1388, s9  }
0xe: {  	s26 =	simm.s32 $0x4;
	s14 =	smax.u32 s14, $0x1;
	s10 =	sshrl.u32 s10, $0x3  }
0xf: {  	s0 =	sshrl.u32 s28, $0x3;
	s10 =	sadd.s32 s8, s10;
	s8 =	sadd.s32 s8, s11  }
0x10: {  	s0 =	sadd.s32 s3, s0;
	s9 =	sadd.s32 $0x4E2, s10;
	s10 =	sadd.s32 s3, s12  }
0x11: {  	v0 =	vimm.f32 $0.0e+00;
	s11 =	sadd.s32 $0x4E2, s0;
	s12 =	sadd.s32 $0x9C4, s0;
	s13 =	sadd.s32 $0xEA6, s0  }
.LBB2_1:
0x12: {  	[tilespmem:s15], [sflag:$0x1] =	stream.linear.gather [hbm4b:s5+s2], $0x1F40, $0x38;
	[tilespmem:$0x18F80] =	vst v63  }
0x13: {  	_ = 	snop  }
0x14: {  	[tilespmem:s16], [sflag:$0x2] =	stream.linear.gather [hbm4b:s1+s2], $0x1F40, $0x38;
	[tilespmem:$0x18F80] =	vst v63  }
0x15: {  	_ = 	snop  }
0x16: {  	[tilespmem:s17], [sflag:$0x3] =	stream.linear.gather [hbm4b:s6+s2], $0x1F40, $0x38;
	[tilespmem:$0x18F80] =	vst v63  }
0x17: {  	_ = 	snop  }
0x18: {  	[tilespmem:s18], [sflag:$0x4] =	stream.linear.gather [hbm4b:s7+s2], $0x1F40, $0x38;
	[tilespmem:$0x18F80] =	vst v63  }
0x19: {  	_ = 	snop  }
0x1a: {  	[tilespmem:s2], [sflag:$0x5] =	stream.linear.gather [hbm4b:s8+s2], $0x2710, $0x38;
	[tilespmem:$0x18F80] =	vst v63  }
0x1b: {  	_ =	swait.ge [sflag:s19], $0x2710  }
0x1c: {  	[sflag:s19] =	ssyncset.done $0x0  }
0x1d: {  	s0 =	simm.s32 $0x2710;
	[sflag:s19] =	ssyncadd.s32 $0xFFFFD8F0  }
0x1e: {  	[tilespmem:s0], [sflag:$0x5] =	stream.linear.gather [hbm4b:s9+s2], $0x2710, $0x38;
	[tilespmem:$0x18F80] =	vst v63  }
0x1f: {  	_ =	swait.ge [sflag:s19], $0x2710  }
0x20: {  	[sflag:s19] =	ssyncset.done $0x0  }
0x21: {  	s28 =	simm.s32 $0xEB00;
	[sflag:s19] =	ssyncadd.s32 $0xFFFFD8F0  }
0x22: {  	[tilespmem:s28], [sflag:$0x5] =	stream.linear.gather [hbm4b:s4+s2], $0x2780, $0x38;
	[tilespmem:$0x18F80] =	vst v63  }
0x23: {  	_ =	swait.ge [sflag:s19], $0x2780  }
0x24: {  	[sflag:s19] =	ssyncset.done $0x0  }
0x25: {  	s0 =	simm.s32 $0x4EA0;
	[sflag:s19] =	ssyncadd.s32 $0xFFFFD880  }
0x26: {  	[tilespmem:s0+$0xFFFFFFE0] =	vst v0  }
0x27: {  	[tilespmem:s0+$0x10] =	vst v0  }
0x28: {  	s3 =	simm.s32 $0x0;
	[tilespmem:s0+$0x0] =	vst v0  }
.LBB2_2:
0x29: {  	s3 =	sadd.s32 $0x40, s3  }
0x2a: {  	[tilespmem:s0+$0xFFFFFFF0] =	vst v0;
	s0 =	sadd.s32 $0x40, s0;
	p0 =	slt.u32 s3, $0x9C00  }
.Ltmp0:
0x2b: {  	[tilespmem:s0+$0xFFFFFFE0] =	vst v0;
	(pc) =	sbr.rel @p0 .LBB2_2-.Ltmp0, $3  }
0x2c: {  	_ =	sdelay $0x1  }
0x2d: {  	[tilespmem:s0+$0x10] =	vst v0  }
0x2e: {  	[tilespmem:s0+$0x0] =	vst v0  }
0x2f: {  	[tilespmem:s0+$0xFFFFFFF0] =	vst v0;
	s0 =	simm.s32 $0x0  }
.LBB2_4:
0x30: {  	_ =	swait.ge [sflag:s22], $0x1F40  }
0x31: {  	[sflag:s22] =	ssyncset.done $0x0  }
0x32: {  	[sflag:s22] =	ssyncadd.s32 $0xFFFFE0C0  }
0x33: {  	_ =	swait.ge [sflag:s23], $0x1F40  }
0x34: {  	[sflag:s23] =	ssyncset.done $0x0  }
0x35: {  	s3 =	simm.s32 $0x112A0;
	[sflag:s23] =	ssyncadd.s32 $0xFFFFE0C0  }
0x36: {  	v1 =	vld [tilespmem:s3+$0x10]  }
0x37: {  	v3 =	vld [tilespmem:s3+$0xFFFFFFE0];
	_ =	sdelay $0x3  }
0x38: {  	v5 =	vshrl.u32 v1, $0xE  }
0x39: {  	v2 =	vld [tilespmem:s3+$0xFFFFFFF0];
	v7 =	vshrl.u32 v3, $0xE  }
0x3a: {  	v4 =	vld [tilespmem:s3+$0x0]  }
0x3b: {  	s21 =	simm.s32 $0x15120  }
0x3c: {  	v10 =	vld [tilespmem:s21+$0x10]  }
0x3d: {  	v9 =	vld.idx.msk [tilespmem:v5+s2+$0x0], $0xffff  }
0x3e: {  	v6 =	vshrl.u32 v2, $0xE;
	v12 =	vld.idx.msk [tilespmem:v7+s2+$0x0], $0xffff  }
0x3f: {  	v13 =	vld [tilespmem:s21+$0xFFFFFFE0];
	v8 =	vshrl.u32 v4, $0xE  }
0x40: {  	v1 =	vand.u32 $0x3FFF, v1  }
0x41: {  	v17 =	vld [tilespmem:s21+$0xFFFFFFF0];
	v3 =	vand.u32 $0x3FFF, v3  }
0x42: {  	v19 =	vld [tilespmem:s21+$0x0];
	v14 =	vadd.s32 $0x2710, v1;
	v16 =	vand.u32 $0xFFFF0000, v9  }
0x43: {  	v18 =	vadd.s32 $0x2710, v3;
	v11 =	vld.idx.msk [tilespmem:v6+s2+$0x0], $0xffff;
	v20 =	vand.u32 $0xFFFF0000, v12;
	v16 =	vmul.f32 v16, v10  }
0x44: {  	v15 =	vld.idx.msk [tilespmem:v8+s2+$0x0], $0xffff;
	v5 =	vadd.s32 $0x2710, v5;
	v9 =	vshll.u32 v9, $0x10;
	v20 =	vmul.f32 v20, v13  }
0x45: {  	v7 =	vadd.s32 $0x2710, v7;
	v12 =	vshll.u32 v12, $0x10;
	v9 =	vmul.f32 v9, v10;
	[tilespmem:v1+s24+$0x0] =	vst.idx.add.f32.msk $0xffff, v16  }
0x46: {  	v2 =	vand.u32 $0x3FFF, v2;
	v12 =	vmul.f32 v12, v13;
	[tilespmem:v3+s24+$0x0] =	vst.idx.add.f32.msk $0xffff, v20  }
0x47: {  	v52 =	vadd.s32 $0x2710, v2;
	[tilespmem:v14+s24+$0x0] =	vst.idx.add.f32.msk $0xffff, v9  }
0x48: {  	v9 =	vand.u32 $0x3FFF, v4;
	v4 =	vand.u32 $0xFFFF0000, v11;
	[tilespmem:v18+s24+$0x0] =	vst.idx.add.f32.msk $0xffff, v12  }
0x49: {  	v11 =	vshll.u32 v11, $0x10;
	v5 =	vld.idx.msk [tilespmem:v5+s2+$0x0], $0xffff;
	v14 =	vadd.s32 $0x2710, v9;
	v4 =	vmul.f32 v4, v17  }
0x4a: {  	v53 =	vand.u32 $0xFFFF0000, v15;
	v11 =	vmul.f32 v11, v17;
	v7 =	vld.idx.msk [tilespmem:v7+s2+$0x0], $0xffff  }
0x4b: {  	v6 =	vadd.s32 $0x2710, v6;
	v12 =	vshll.u32 v15, $0x10;
	v15 =	vmul.f32 v53, v19;
	[tilespmem:v2+s24+$0x0] =	vst.idx.add.f32.msk $0xffff, v4  }
0x4c: {  	v4 =	vmul.f32 v12, v19;
	[tilespmem:v52+s24+$0x0] =	vst.idx.add.f32.msk $0xffff, v11;
	v11 =	vadd.s32 $0x4E20, v1  }
0x4d: {  	[tilespmem:v9+s24+$0x0] =	vst.idx.add.f32.msk $0xffff, v15  }
0x4e: {  	s28 =	simm.s32 $0x112E0;
	v1 =	vadd.s32 $0x7530, v1;
	[tilespmem:v14+s24+$0x0] =	vst.idx.add.f32.msk $0xffff, v4;
	v4 =	vand.u32 $0xFFFF0000, v5  }
0x4f: {  	v12 =	vld [tilespmem:s28+$0xFFFFFFE0];
	v4 =	vmul.f32 v4, v10  }
0x50: {  	v6 =	vld.idx.msk [tilespmem:v6+s2+$0x0], $0xffff;
	v5 =	vshll.u32 v5, $0x10  }
0x51: {  	v5 =	vmul.f32 v5, v10;
	v10 =	vadd.s32 $0x4E20, v3;
	[tilespmem:v11+s24+$0x0] =	vst.idx.add.f32.msk $0xffff, v4  }
0x52: {  	v4 =	vadd.s32 $0x2710, v8;
	v8 =	vld [tilespmem:s28+$0x10]  }
0x53: {  	v3 =	vadd.s32 $0x7530, v3;
	[tilespmem:v1+s24+$0x0] =	vst.idx.add.f32.msk $0xffff, v5;
	v5 =	vand.u32 $0xFFFF0000, v7  }
0x54: {  	v14 =	vld [tilespmem:s28+$0x0];
	v5 =	vmul.f32 v5, v13  }
0x55: {  	v11 =	vld [tilespmem:s28+$0xFFFFFFF0];
	v1 =	vadd.s32 $0x4E20, v2;
	v7 =	vshll.u32 v7, $0x10  }
0x56: {  	v2 =	vadd.s32 $0x7530, v2;
	v7 =	vmul.f32 v7, v13;
	[tilespmem:v10+s24+$0x0] =	vst.idx.add.f32.msk $0xffff, v5  }
0x57: {  	v15 =	vand.u32 $0xFFFF0000, v6;
	v13 =	vld.idx.msk [tilespmem:v4+s2+$0x0], $0xffff;
	v54 =	vshrl.u32 v8, $0xE  }
0x58: {  	s3 =	simm.s32 $0x15160;
	v4 =	vshll.u32 v6, $0x10;
	v6 =	vmul.f32 v15, v17;
	[tilespmem:v3+s24+$0x0] =	vst.idx.add.f32.msk $0xffff, v7;
	v3 =	vshrl.u32 v12, $0xE  }
0x59: {  	v15 =	vld [tilespmem:s3+$0x10];
	v4 =	vmul.f32 v4, v17  }
0x5a: {  	[tilespmem:v1+s24+$0x0] =	vst.idx.add.f32.msk $0xffff, v6  }
0x5b: {  	v10 =	vshrl.u32 v11, $0xE;
	[tilespmem:v2+s24+$0x0] =	vst.idx.add.f32.msk $0xffff, v4  }
0x5c: {  	v2 =	vld.idx.msk [tilespmem:v54+s2+$0x0], $0xffff  }
0x5d: {  	v6 =	vshrl.u32 v14, $0xE;
	v56 =	vld.idx.msk [tilespmem:v3+s2+$0x0], $0xffff  }
0x5e: {  	v55 =	vadd.s32 $0x4E20, v9;
	v5 =	vld [tilespmem:s3+$0xFFFFFFE0]  }
0x5f: {  	v8 =	vand.u32 $0x3FFF, v8;
	v4 =	vld [tilespmem:s3+$0xFFFFFFF0]  }
0x60: {  	v12 =	vand.u32 $0x3FFF, v12;
	v58 =	vand.u32 $0x3FFF, v11;
	v7 =	vld.idx.msk [tilespmem:v10+s2+$0x0], $0xffff;
	v1 =	vand.u32 $0xFFFF0000, v13  }
0x61: {  	v21 =	vadd.s32 $0x2710, v8;
	v22 =	vmul.f32 v1, v19;
	v1 =	vld [tilespmem:s3+$0x0];
	v23 =	vand.u32 $0xFFFF0000, v2  }
0x62: {  	v16 =	vadd.s32 $0x2710, v54;
	v57 =	vld.idx.msk [tilespmem:v6+s2+$0x0], $0xffff;
	v11 =	vand.u32 $0xFFFF0000, v56;
	v23 =	vmul.f32 v23, v15  }
0x63: {  	v24 =	vadd.s32 $0x2710, v12;
	[tilespmem:v55+s24+$0x0] =	vst.idx.add.f32.msk $0xffff, v22;
	v2 =	vshll.u32 v2, $0x10;
	v11 =	vmul.f32 v11, v5  }
0x64: {  	v2 =	vmul.f32 v2, v15;
	[tilespmem:v8+s24+$0x0] =	vst.idx.add.f32.msk $0xffff, v23  }
0x65: {  	v60 =	vand.u32 $0x3FFF, v14;
	v59 =	vadd.s32 $0x2710, v58;
	v18 =	vshll.u32 v56, $0x10;
	[tilespmem:v12+s24+$0x0] =	vst.idx.add.f32.msk $0xffff, v11  }
0x66: {  	v3 =	vadd.s32 $0x2710, v3;
	v14 =	vmul.f32 v18, v5;
	[tilespmem:v21+s24+$0x0] =	vst.idx.add.f32.msk $0xffff, v2;
	v2 =	vand.u32 $0xFFFF0000, v7  }
0x67: {  	v7 =	vshll.u32 v7, $0x10;
	v16 =	vld.idx.msk [tilespmem:v16+s2+$0x0], $0xffff;
	v2 =	vmul.f32 v2, v4  }
0x68: {  	v61 =	vadd.s32 $0x2710, v60;
	[tilespmem:v24+s24+$0x0] =	vst.idx.add.f32.msk $0xffff, v14;
	v7 =	vmul.f32 v7, v4  }
0x69: {  	v62 =	vadd.s32 $0x2710, v10;
	v11 =	vand.u32 $0xFFFF0000, v57;
	[tilespmem:v58+s24+$0x0] =	vst.idx.add.f32.msk $0xffff, v2  }
0x6a: {  	v10 =	vshll.u32 v57, $0x10;
	v11 =	vmul.f32 v11, v1;
	[tilespmem:v59+s24+$0x0] =	vst.idx.add.f32.msk $0xffff, v7;
	v7 =	vadd.s32 $0x4E20, v8  }
0x6b: {  	v63 =	vadd.s32 $0x7530, v8;
	v10 =	vmul.f32 v10, v1;
	v14 =	vld.idx.msk [tilespmem:v3+s2+$0x0], $0xffff  }
0x6c: {  	[tilespmem:v60+s24+$0x0] =	vst.idx.add.f32.msk $0xffff, v11;
	v11 =	vadd.s32 $0x4E20, v12;
	v8 =	vand.u32 $0xFFFF0000, v16  }
0x6d: {  	v12 =	vadd.s32 $0x7530, v12;
	[tilespmem:v61+s24+$0x0] =	vst.idx.add.f32.msk $0xffff, v10;
	v3 =	vshll.u32 v16, $0x10;
	v8 =	vmul.f32 v8, v15  }
0x6e: {  	v10 =	vadd.s32 $0x2710, v6;
	v6 =	vshll.u32 v13, $0x10;
	v13 =	vld.idx.msk [tilespmem:v62+s2+$0x0], $0xffff;
	v15 =	vmul.f32 v3, v15  }
0x6f: {  	v2 =	vadd.s32 $0x7530, v9;
	v9 =	vadd.s32 $0x4E20, v58;
	v6 =	vmul.f32 v6, v19;
	[tilespmem:v7+s24+$0x0] =	vst.idx.add.f32.msk $0xffff, v8  }
0x70: {  	s20 =	simm.s32 $0x40;
	s21 =	simm.s32 $0x11320;
	v3 =	vadd.s32 $0x4E20, v60;
	v8 =	vadd.s32 $0x7530, v58;
	v7 =	vadd.s32 $0x7530, v60;
	[tilespmem:v63+s24+$0x0] =	vst.idx.add.f32.msk $0xffff, v15  }
.LBB2_5:
0x71: {  	v15 =	vld [tilespmem:s21+$0x10]  }
0x72: {  	v16 =	vld [tilespmem:s21+$0xFFFFFFF0]  }
0x73: {  	s20 =	sadd.s32 $0x40, s20;
	v18 =	vand.u32 $0xFFFF0000, v14;
	v14 =	vshll.u32 v14, $0x10;
	v17 =	vld [tilespmem:s21+$0x0]  }
0x74: {  	p0 =	slt.u32 s20, $0x1F00;
	v18 =	vmul.f32 v18, v5;
	v20 =	vand.u32 $0xFFFF0000, v13;
	v13 =	vshll.u32 v13, $0x10;
	v19 =	vld [tilespmem:s21+$0xFFFFFFE0]  }
0x75: {  	v5 =	vmul.f32 v14, v5;
	v14 =	vmul.f32 v20, v4;
	v20 =	vld.idx.msk [tilespmem:v10+s2+$0x0], $0xffff  }
0x76: {  	v4 =	vmul.f32 v13, v4;
	v21 =	vshrl.u32 v15, $0xE;
	[tilespmem:v11+s24+$0x0] =	vst.idx.add.f32.msk $0xffff, v18  }
0x77: {  	v13 =	vshrl.u32 v16, $0xE;
	v16 =	vand.u32 $0x3FFF, v16;
	[tilespmem:v12+s24+$0x0] =	vst.idx.add.f32.msk $0xffff, v5  }
0x78: {  	v18 =	vadd.s32 $0x2710, v16;
	v5 =	vshrl.u32 v17, $0xE;
	v17 =	vand.u32 $0x3FFF, v17;
	[tilespmem:v9+s24+$0x0] =	vst.idx.add.f32.msk $0xffff, v14  }
0x79: {  	v14 =	vshrl.u32 v19, $0xE;
	v19 =	vand.u32 $0x3FFF, v19;
	v22 =	vadd.s32 $0x2710, v17;
	[tilespmem:v8+s24+$0x0] =	vst.idx.add.f32.msk $0xffff, v4  }
0x7a: {  	v25 =	vadd.s32 $0x2710, v13;
	v23 =	vadd.s32 $0x2710, v19;
	v24 =	vadd.s32 $0x2710, v14;
	[tilespmem:v2+s24+$0x0] =	vst.idx.add.f32.msk $0xffff, v6;
	v2 =	vmovc v7  }
0x7b: {  	v10 =	vadd.s32 $0x2710, v5;
	v4 =	vand.u32 $0xFFFF0000, v20;
	v6 =	vshll.u32 v20, $0x10;
	v26 =	vld.idx.msk [tilespmem:v21+s2+$0x0], $0xffff  }
0x7c: {  	s3 =	sadd.s32 $0x40, s3;
	v11 =	vadd.s32 $0x4E20, v19;
	v20 =	vmul.f32 v4, v1;
	v6 =	vmul.f32 v6, v1;
	v13 =	vld.idx.msk [tilespmem:v13+s2+$0x0], $0xffff  }
0x7d: {  	v9 =	vadd.s32 $0x4E20, v16;
	v8 =	vadd.s32 $0x7530, v16;
	v12 =	vadd.s32 $0x7530, v19;
	v27 =	vld [tilespmem:s3+$0x10]  }
0x7e: {  	v28 =	vadd.s32 $0x4E20, v17;
	v7 =	vadd.s32 $0x7530, v17;
	v14 =	vld.idx.msk [tilespmem:v14+s2+$0x0], $0xffff  }
0x7f: {  	v15 =	vand.u32 $0x3FFF, v15;
	v29 =	vld.idx.msk [tilespmem:v5+s2+$0x0], $0xffff  }
0x80: {  	v30 =	vadd.s32 $0x2710, v15;
	v5 =	vld [tilespmem:s3+$0xFFFFFFE0]  }
0x81: {  	v21 =	vadd.s32 $0x2710, v21;
	v31 =	vand.u32 $0xFFFF0000, v26;
	v4 =	vld [tilespmem:s3+$0xFFFFFFF0]  }
0x82: {  	v26 =	vshll.u32 v26, $0x10;
	v32 =	vand.u32 $0xFFFF0000, v13;
	v1 =	vld [tilespmem:s3+$0x0];
	v31 =	vmul.f32 v31, v27  }
0x83: {  	v13 =	vshll.u32 v13, $0x10;
	v26 =	vmul.f32 v26, v27;
	[tilespmem:v3+s24+$0x0] =	vst.idx.add.f32.msk $0xffff, v20;
	v3 =	vmov v28  }
0x84: {  	v20 =	vand.u32 $0xFFFF0000, v14;
	v14 =	vshll.u32 v14, $0x10;
	[tilespmem:v15+s24+$0x0] =	vst.idx.add.f32.msk $0xffff, v31  }
0x85: {  	v28 =	vand.u32 $0xFFFF0000, v29;
	v29 =	vshll.u32 v29, $0x10;
	v20 =	vmul.f32 v20, v5;
	[tilespmem:v30+s24+$0x0] =	vst.idx.add.f32.msk $0xffff, v26  }
0x86: {  	v14 =	vmul.f32 v14, v5;
	v26 =	vmul.f32 v32, v4;
	v21 =	vld.idx.msk [tilespmem:v21+s2+$0x0], $0xffff  }
0x87: {  	v13 =	vmul.f32 v13, v4;
	[tilespmem:v19+s24+$0x0] =	vst.idx.add.f32.msk $0xffff, v20;
	v19 =	vmul.f32 v28, v1  }
0x88: {  	[tilespmem:v23+s24+$0x0] =	vst.idx.add.f32.msk $0xffff, v14;
	v14 =	vmul.f32 v29, v1  }
0x89: {  	[tilespmem:v16+s24+$0x0] =	vst.idx.add.f32.msk $0xffff, v26  }
0x8a: {  	v16 =	vadd.s32 $0x4E20, v15;
	[tilespmem:v18+s24+$0x0] =	vst.idx.add.f32.msk $0xffff, v13  }
0x8b: {  	v15 =	vadd.s32 $0x7530, v15;
	[tilespmem:v17+s24+$0x0] =	vst.idx.add.f32.msk $0xffff, v19  }
.Ltmp1:
0x8c: {  	v13 =	vand.u32 $0xFFFF0000, v21;
	[tilespmem:v22+s24+$0x0] =	vst.idx.add.f32.msk $0xffff, v14;
	(pc) =	sbr.rel @p0 .LBB2_5-.Ltmp1, $4  }
0x8d: {  	v17 =	vshll.u32 v21, $0x10;
	v18 =	vmul.f32 v13, v27;
	v14 =	vld.idx.msk [tilespmem:v24+s2+$0x0], $0xffff  }
0x8e: {  	v17 =	vmul.f32 v17, v27;
	v13 =	vld.idx.msk [tilespmem:v25+s2+$0x0], $0xffff  }
0x8f: {  	[tilespmem:v16+s24+$0x0] =	vst.idx.add.f32.msk $0xffff, v18  }
0x90: {  	s21 =	sadd.s32 $0x40, s21;
	[tilespmem:v15+s24+$0x0] =	vst.idx.add.f32.msk $0xffff, v17  }
0x91: {  	_ =	sdelay $0x3  }
0x92: {  	v10 =	vld.idx.msk [tilespmem:v10+s2+$0x0], $0xffff;
	v15 =	vand.u32 $0xFFFF0000, v14  }
0x93: {  	v14 =	vshll.u32 v14, $0x10;
	v15 =	vmul.f32 v15, v5  }
0x94: {  	v16 =	vand.u32 $0xFFFF0000, v13;
	v5 =	vmul.f32 v14, v5  }
0x95: {  	v13 =	vshll.u32 v13, $0x10;
	v14 =	vmul.f32 v16, v4;
	[tilespmem:v11+s24+$0x0] =	vst.idx.add.f32.msk $0xffff, v15  }
0x96: {  	v4 =	vmul.f32 v13, v4;
	[tilespmem:v12+s24+$0x0] =	vst.idx.add.f32.msk $0xffff, v5  }
0x97: {  	s3 =	smul.u32 $0x3E80, s0;
	[tilespmem:v9+s24+$0x0] =	vst.idx.add.f32.msk $0xffff, v14;
	v5 =	vand.u32 $0xFFFF0000, v10  }
0x98: {  	[tilespmem:v8+s24+$0x0] =	vst.idx.add.f32.msk $0xffff, v4;
	v4 =	vshll.u32 v10, $0x10;
	v5 =	vmul.f32 v5, v1  }
0x99: {  	[tilespmem:v2+s24+$0x0] =	vst.idx.add.f32.msk $0xffff, v6;
	s3 =	sshrl.u32 s3, $0x3;
	v1 =	vmul.f32 v4, v1  }
0x9a: {  	s20 =	sadd.s32 $0x7D0, s3;
	[tilespmem:v3+s24+$0x0] =	vst.idx.add.f32.msk $0xffff, v5  }
0x9b: {  	s21 =	sadd.s32 s5, s20;
	[tilespmem:v7+s24+$0x0] =	vst.idx.add.f32.msk $0xffff, v1  }
0x9c: {  	[tilespmem:s15], [sflag:$0x1] =	stream.linear.gather [hbm4b:s21+s2], $0x1F40, $0x38;
	[tilespmem:$0x18F80] =	vst v63  }
0x9d: {  	s20 =	sadd.s32 s1, s20  }
0x9e: {  	[tilespmem:s16], [sflag:$0x2] =	stream.linear.gather [hbm4b:s20+s2], $0x1F40, $0x38;
	[tilespmem:$0x18F80] =	vst v63  }
0x9f: {  	_ =	swait.ge [sflag:s25], $0x1F40  }
0xa0: {  	[sflag:s25] =	ssyncset.done $0x0  }
0xa1: {  	[sflag:s25] =	ssyncadd.s32 $0xFFFFE0C0  }
0xa2: {  	_ =	swait.ge [sflag:s26], $0x1F40  }
0xa3: {  	[sflag:s26] =	ssyncset.done $0x0  }
0xa4: {  	s21 =	simm.s32 $0x131F0;
	[sflag:s26] =	ssyncadd.s32 $0xFFFFE0C0  }
0xa5: {  	v1 =	vld [tilespmem:s21+$0x0]  }
0xa6: {  	v3 =	vld [tilespmem:s21+$0xFFFFFFD0];
	_ =	sdelay $0x3  }
0xa7: {  	v5 =	vshrl.u32 v1, $0xE  }
0xa8: {  	v2 =	vld [tilespmem:s21+$0xFFFFFFE0];
	v7 =	vshrl.u32 v3, $0xE  }
0xa9: {  	v4 =	vld [tilespmem:s21+$0xFFFFFFF0]  }
0xaa: {  	s21 =	simm.s32 $0x17070  }
0xab: {  	v10 =	vld [tilespmem:s21+$0x0]  }
0xac: {  	v9 =	vld.idx.msk [tilespmem:v5+s2+$0x0], $0xffff  }
0xad: {  	v6 =	vshrl.u32 v2, $0xE;
	v12 =	vld.idx.msk [tilespmem:v7+s2+$0x0], $0xffff  }
0xae: {  	v13 =	vld [tilespmem:s21+$0xFFFFFFD0];
	v8 =	vshrl.u32 v4, $0xE  }
0xaf: {  	v1 =	vand.u32 $0x3FFF, v1  }
0xb0: {  	v17 =	vld [tilespmem:s21+$0xFFFFFFE0];
	v3 =	vand.u32 $0x3FFF, v3  }
0xb1: {  	v19 =	vld [tilespmem:s21+$0xFFFFFFF0];
	v14 =	vadd.s32 $0x2710, v1;
	v51 =	vand.u32 $0xFFFF0000, v9  }
0xb2: {  	v18 =	vadd.s32 $0x2710, v3;
	v11 =	vld.idx.msk [tilespmem:v6+s2+$0x0], $0xffff;
	v20 =	vand.u32 $0xFFFF0000, v12;
	v16 =	vmul.f32 v51, v10  }
0xb3: {  	v15 =	vld.idx.msk [tilespmem:v8+s2+$0x0], $0xffff;
	v5 =	vadd.s32 $0x2710, v5;
	v9 =	vshll.u32 v9, $0x10;
	v20 =	vmul.f32 v20, v13  }
0xb4: {  	v7 =	vadd.s32 $0x2710, v7;
	v12 =	vshll.u32 v12, $0x10;
	v9 =	vmul.f32 v9, v10;
	[tilespmem:v1+s24+$0x0] =	vst.idx.add.f32.msk $0xffff, v16  }
0xb5: {  	v2 =	vand.u32 $0x3FFF, v2;
	v12 =	vmul.f32 v12, v13;
	[tilespmem:v3+s24+$0x0] =	vst.idx.add.f32.msk $0xffff, v20  }
0xb6: {  	v52 =	vadd.s32 $0x2710, v2;
	[tilespmem:v14+s24+$0x0] =	vst.idx.add.f32.msk $0xffff, v9  }
0xb7: {  	v9 =	vand.u32 $0x3FFF, v4;
	v4 =	vand.u32 $0xFFFF0000, v11;
	[tilespmem:v18+s24+$0x0] =	vst.idx.add.f32.msk $0xffff, v12  }
0xb8: {  	v11 =	vshll.u32 v11, $0x10;
	v5 =	vld.idx.msk [tilespmem:v5+s2+$0x0], $0xffff;
	v14 =	vadd.s32 $0x2710, v9;
	v4 =	vmul.f32 v4, v17  }
0xb9: {  	v53 =	vand.u32 $0xFFFF0000, v15;
	v11 =	vmul.f32 v11, v17;
	v7 =	vld.idx.msk [tilespmem:v7+s2+$0x0], $0xffff  }
0xba: {  	v6 =	vadd.s32 $0x2710, v6;
	v12 =	vshll.u32 v15, $0x10;
	v15 =	vmul.f32 v53, v19;
	[tilespmem:v2+s24+$0x0] =	vst.idx.add.f32.msk $0xffff, v4  }
0xbb: {  	v4 =	vmul.f32 v12, v19;
	[tilespmem:v52+s24+$0x0] =	vst.idx.add.f32.msk $0xffff, v11;
	v11 =	vadd.s32 $0x4E20, v1  }
0xbc: {  	[tilespmem:v9+s24+$0x0] =	vst.idx.add.f32.msk $0xffff, v15  }
0xbd: {  	s21 =	simm.s32 $0x13230;
	v1 =	vadd.s32 $0x7530, v1;
	[tilespmem:v14+s24+$0x0] =	vst.idx.add.f32.msk $0xffff, v4;
	v4 =	vand.u32 $0xFFFF0000, v5  }
0xbe: {  	v12 =	vld [tilespmem:s21+$0xFFFFFFD0];
	v4 =	vmul.f32 v4, v10  }
0xbf: {  	v6 =	vld.idx.msk [tilespmem:v6+s2+$0x0], $0xffff;
	v5 =	vshll.u32 v5, $0x10  }
0xc0: {  	v5 =	vmul.f32 v5, v10;
	v10 =	vadd.s32 $0x4E20, v3;
	[tilespmem:v11+s24+$0x0] =	vst.idx.add.f32.msk $0xffff, v4  }
0xc1: {  	v4 =	vadd.s32 $0x2710, v8;
	v8 =	vld [tilespmem:s21+$0x0]  }
0xc2: {  	v3 =	vadd.s32 $0x7530, v3;
	[tilespmem:v1+s24+$0x0] =	vst.idx.add.f32.msk $0xffff, v5;
	v5 =	vand.u32 $0xFFFF0000, v7  }
0xc3: {  	v14 =	vld [tilespmem:s21+$0xFFFFFFF0];
	v5 =	vmul.f32 v5, v13  }
0xc4: {  	v11 =	vld [tilespmem:s21+$0xFFFFFFE0];
	v1 =	vadd.s32 $0x4E20, v2;
	v7 =	vshll.u32 v7, $0x10  }
0xc5: {  	v2 =	vadd.s32 $0x7530, v2;
	v7 =	vmul.f32 v7, v13;
	[tilespmem:v10+s24+$0x0] =	vst.idx.add.f32.msk $0xffff, v5  }
0xc6: {  	v15 =	vand.u32 $0xFFFF0000, v6;
	v13 =	vld.idx.msk [tilespmem:v4+s2+$0x0], $0xffff;
	v54 =	vshrl.u32 v8, $0xE  }
0xc7: {  	s20 =	simm.s32 $0x170B0;
	v4 =	vshll.u32 v6, $0x10;
	v6 =	vmul.f32 v15, v17;
	[tilespmem:v3+s24+$0x0] =	vst.idx.add.f32.msk $0xffff, v7;
	v3 =	vshrl.u32 v12, $0xE  }
0xc8: {  	v15 =	vld [tilespmem:s20+$0x0];
	v4 =	vmul.f32 v4, v17  }
0xc9: {  	[tilespmem:v1+s24+$0x0] =	vst.idx.add.f32.msk $0xffff, v6  }
0xca: {  	v10 =	vshrl.u32 v11, $0xE;
	[tilespmem:v2+s24+$0x0] =	vst.idx.add.f32.msk $0xffff, v4  }
0xcb: {  	v2 =	vld.idx.msk [tilespmem:v54+s2+$0x0], $0xffff  }
0xcc: {  	v6 =	vshrl.u32 v14, $0xE;
	v56 =	vld.idx.msk [tilespmem:v3+s2+$0x0], $0xffff  }
0xcd: {  	v55 =	vadd.s32 $0x4E20, v9;
	v5 =	vld [tilespmem:s20+$0xFFFFFFD0]  }
0xce: {  	v8 =	vand.u32 $0x3FFF, v8;
	v4 =	vld [tilespmem:s20+$0xFFFFFFE0]  }
0xcf: {  	v12 =	vand.u32 $0x3FFF, v12;
	v58 =	vand.u32 $0x3FFF, v11;
	v7 =	vld.idx.msk [tilespmem:v10+s2+$0x0], $0xffff;
	v1 =	vand.u32 $0xFFFF0000, v13  }
0xd0: {  	v21 =	vadd.s32 $0x2710, v8;
	v22 =	vmul.f32 v1, v19;
	v1 =	vld [tilespmem:s20+$0xFFFFFFF0];
	v23 =	vand.u32 $0xFFFF0000, v2  }
0xd1: {  	v16 =	vadd.s32 $0x2710, v54;
	v57 =	vld.idx.msk [tilespmem:v6+s2+$0x0], $0xffff;
	v11 =	vand.u32 $0xFFFF0000, v56;
	v23 =	vmul.f32 v23, v15  }
0xd2: {  	v24 =	vadd.s32 $0x2710, v12;
	[tilespmem:v55+s24+$0x0] =	vst.idx.add.f32.msk $0xffff, v22;
	v2 =	vshll.u32 v2, $0x10;
	v11 =	vmul.f32 v11, v5  }
0xd3: {  	v2 =	vmul.f32 v2, v15;
	[tilespmem:v8+s24+$0x0] =	vst.idx.add.f32.msk $0xffff, v23  }
0xd4: {  	v60 =	vand.u32 $0x3FFF, v14;
	v59 =	vadd.s32 $0x2710, v58;
	v18 =	vshll.u32 v56, $0x10;
	[tilespmem:v12+s24+$0x0] =	vst.idx.add.f32.msk $0xffff, v11  }
0xd5: {  	v3 =	vadd.s32 $0x2710, v3;
	v14 =	vmul.f32 v18, v5;
	[tilespmem:v21+s24+$0x0] =	vst.idx.add.f32.msk $0xffff, v2;
	v2 =	vand.u32 $0xFFFF0000, v7  }
0xd6: {  	v7 =	vshll.u32 v7, $0x10;
	v16 =	vld.idx.msk [tilespmem:v16+s2+$0x0], $0xffff;
	v2 =	vmul.f32 v2, v4  }
0xd7: {  	v61 =	vadd.s32 $0x2710, v60;
	[tilespmem:v24+s24+$0x0] =	vst.idx.add.f32.msk $0xffff, v14;
	v7 =	vmul.f32 v7, v4  }
0xd8: {  	v62 =	vadd.s32 $0x2710, v10;
	v11 =	vand.u32 $0xFFFF0000, v57;
	[tilespmem:v58+s24+$0x0] =	vst.idx.add.f32.msk $0xffff, v2  }
0xd9: {  	v10 =	vshll.u32 v57, $0x10;
	v11 =	vmul.f32 v11, v1;
	[tilespmem:v59+s24+$0x0] =	vst.idx.add.f32.msk $0xffff, v7;
	v7 =	vadd.s32 $0x4E20, v8  }
0xda: {  	v63 =	vadd.s32 $0x7530, v8;
	v10 =	vmul.f32 v10, v1;
	v14 =	vld.idx.msk [tilespmem:v3+s2+$0x0], $0xffff  }
0xdb: {  	[tilespmem:v60+s24+$0x0] =	vst.idx.add.f32.msk $0xffff, v11;
	v11 =	vadd.s32 $0x4E20, v12;
	v8 =	vand.u32 $0xFFFF0000, v16  }
0xdc: {  	v12 =	vadd.s32 $0x7530, v12;
	[tilespmem:v61+s24+$0x0] =	vst.idx.add.f32.msk $0xffff, v10;
	v3 =	vshll.u32 v16, $0x10;
	v8 =	vmul.f32 v8, v15  }
0xdd: {  	v10 =	vadd.s32 $0x2710, v6;
	v6 =	vshll.u32 v13, $0x10;
	v13 =	vld.idx.msk [tilespmem:v62+s2+$0x0], $0xffff;
	v15 =	vmul.f32 v3, v15  }
0xde: {  	v2 =	vadd.s32 $0x7530, v9;
	v9 =	vadd.s32 $0x4E20, v58;
	v6 =	vmul.f32 v6, v19;
	[tilespmem:v7+s24+$0x0] =	vst.idx.add.f32.msk $0xffff, v8  }
0xdf: {  	s28 =	simm.s32 $0x13270;
	s21 =	simm.s32 $0x40;
	v3 =	vadd.s32 $0x4E20, v60;
	v8 =	vadd.s32 $0x7530, v58;
	v7 =	vadd.s32 $0x7530, v60;
	[tilespmem:v63+s24+$0x0] =	vst.idx.add.f32.msk $0xffff, v15  }
.LBB2_7:
0xe0: {  	v15 =	vld [tilespmem:s28+$0x0]  }
0xe1: {  	v16 =	vld [tilespmem:s28+$0xFFFFFFE0]  }
0xe2: {  	s21 =	sadd.s32 $0x40, s21;
	v18 =	vand.u32 $0xFFFF0000, v14;
	v14 =	vshll.u32 v14, $0x10;
	v17 =	vld [tilespmem:s28+$0xFFFFFFF0]  }
0xe3: {  	p0 =	slt.u32 s21, $0x1F00;
	v18 =	vmul.f32 v18, v5;
	v20 =	vand.u32 $0xFFFF0000, v13;
	v13 =	vshll.u32 v13, $0x10;
	v19 =	vld [tilespmem:s28+$0xFFFFFFD0]  }
0xe4: {  	v5 =	vmul.f32 v14, v5;
	v14 =	vmul.f32 v20, v4;
	v20 =	vld.idx.msk [tilespmem:v10+s2+$0x0], $0xffff  }
0xe5: {  	v4 =	vmul.f32 v13, v4;
	v21 =	vshrl.u32 v15, $0xE;
	[tilespmem:v11+s24+$0x0] =	vst.idx.add.f32.msk $0xffff, v18  }
0xe6: {  	v13 =	vshrl.u32 v16, $0xE;
	v16 =	vand.u32 $0x3FFF, v16;
	[tilespmem:v12+s24+$0x0] =	vst.idx.add.f32.msk $0xffff, v5  }
0xe7: {  	v18 =	vadd.s32 $0x2710, v16;
	v5 =	vshrl.u32 v17, $0xE;
	v17 =	vand.u32 $0x3FFF, v17;
	[tilespmem:v9+s24+$0x0] =	vst.idx.add.f32.msk $0xffff, v14  }
0xe8: {  	v14 =	vshrl.u32 v19, $0xE;
	v19 =	vand.u32 $0x3FFF, v19;
	v22 =	vadd.s32 $0x2710, v17;
	[tilespmem:v8+s24+$0x0] =	vst.idx.add.f32.msk $0xffff, v4  }
0xe9: {  	v25 =	vadd.s32 $0x2710, v13;
	v23 =	vadd.s32 $0x2710, v19;
	v24 =	vadd.s32 $0x2710, v14;
	[tilespmem:v2+s24+$0x0] =	vst.idx.add.f32.msk $0xffff, v6;
	v2 =	vmovc v7  }
0xea: {  	v10 =	vadd.s32 $0x2710, v5;
	v4 =	vand.u32 $0xFFFF0000, v20;
	v6 =	vshll.u32 v20, $0x10;
	v26 =	vld.idx.msk [tilespmem:v21+s2+$0x0], $0xffff  }
0xeb: {  	s20 =	sadd.s32 $0x40, s20;
	v11 =	vadd.s32 $0x4E20, v19;
	v20 =	vmul.f32 v4, v1;
	v6 =	vmul.f32 v6, v1;
	v13 =	vld.idx.msk [tilespmem:v13+s2+$0x0], $0xffff  }
0xec: {  	v9 =	vadd.s32 $0x4E20, v16;
	v8 =	vadd.s32 $0x7530, v16;
	v12 =	vadd.s32 $0x7530, v19;
	v27 =	vld [tilespmem:s20+$0x0]  }
0xed: {  	v28 =	vadd.s32 $0x4E20, v17;
	v7 =	vadd.s32 $0x7530, v17;
	v14 =	vld.idx.msk [tilespmem:v14+s2+$0x0], $0xffff  }
0xee: {  	v15 =	vand.u32 $0x3FFF, v15;
	v29 =	vld.idx.msk [tilespmem:v5+s2+$0x0], $0xffff  }
0xef: {  	v30 =	vadd.s32 $0x2710, v15;
	v5 =	vld [tilespmem:s20+$0xFFFFFFD0]  }
0xf0: {  	v21 =	vadd.s32 $0x2710, v21;
	v31 =	vand.u32 $0xFFFF0000, v26;
	v4 =	vld [tilespmem:s20+$0xFFFFFFE0]  }
0xf1: {  	v26 =	vshll.u32 v26, $0x10;
	v32 =	vand.u32 $0xFFFF0000, v13;
	v1 =	vld [tilespmem:s20+$0xFFFFFFF0];
	v31 =	vmul.f32 v31, v27  }
0xf2: {  	v13 =	vshll.u32 v13, $0x10;
	v26 =	vmul.f32 v26, v27;
	[tilespmem:v3+s24+$0x0] =	vst.idx.add.f32.msk $0xffff, v20;
	v3 =	vmov v28  }
0xf3: {  	v20 =	vand.u32 $0xFFFF0000, v14;
	v14 =	vshll.u32 v14, $0x10;
	[tilespmem:v15+s24+$0x0] =	vst.idx.add.f32.msk $0xffff, v31  }
0xf4: {  	v28 =	vand.u32 $0xFFFF0000, v29;
	v29 =	vshll.u32 v29, $0x10;
	v20 =	vmul.f32 v20, v5;
	[tilespmem:v30+s24+$0x0] =	vst.idx.add.f32.msk $0xffff, v26  }
0xf5: {  	v14 =	vmul.f32 v14, v5;
	v26 =	vmul.f32 v32, v4;
	v21 =	vld.idx.msk [tilespmem:v21+s2+$0x0], $0xffff  }
0xf6: {  	v13 =	vmul.f32 v13, v4;
	[tilespmem:v19+s24+$0x0] =	vst.idx.add.f32.msk $0xffff, v20;
	v19 =	vmul.f32 v28, v1  }
0xf7: {  	[tilespmem:v23+s24+$0x0] =	vst.idx.add.f32.msk $0xffff, v14;
	v14 =	vmul.f32 v29, v1  }
0xf8: {  	[tilespmem:v16+s24+$0x0] =	vst.idx.add.f32.msk $0xffff, v26  }
0xf9: {  	v16 =	vadd.s32 $0x4E20, v15;
	[tilespmem:v18+s24+$0x0] =	vst.idx.add.f32.msk $0xffff, v13  }
0xfa: {  	v15 =	vadd.s32 $0x7530, v15;
	[tilespmem:v17+s24+$0x0] =	vst.idx.add.f32.msk $0xffff, v19  }
.Ltmp2:
0xfb: {  	v13 =	vand.u32 $0xFFFF0000, v21;
	[tilespmem:v22+s24+$0x0] =	vst.idx.add.f32.msk $0xffff, v14;
	(pc) =	sbr.rel @p0 .LBB2_7-.Ltmp2, $4  }
0xfc: {  	v17 =	vshll.u32 v21, $0x10;
	v18 =	vmul.f32 v13, v27;
	v14 =	vld.idx.msk [tilespmem:v24+s2+$0x0], $0xffff  }
0xfd: {  	v17 =	vmul.f32 v17, v27;
	v13 =	vld.idx.msk [tilespmem:v25+s2+$0x0], $0xffff  }
0xfe: {  	[tilespmem:v16+s24+$0x0] =	vst.idx.add.f32.msk $0xffff, v18  }
0xff: {  	s28 =	sadd.s32 $0x40, s28;
	[tilespmem:v15+s24+$0x0] =	vst.idx.add.f32.msk $0xffff, v17  }
0x100: {  	_ =	sdelay $0x3  }
0x101: {  	v10 =	vld.idx.msk [tilespmem:v10+s2+$0x0], $0xffff  }
0x102: {  	v15 =	vand.u32 $0xFFFF0000, v14  }
0x103: {  	v57 =	vshll.u32 v14, $0x10;
	v15 =	vmul.f32 v15, v5  }
0x104: {  	[tilespmem:v2+s24+$0x0] =	vst.idx.add.f32.msk $0xffff, v6;
	v16 =	vand.u32 $0xFFFF0000, v13;
	v58 =	vmul.f32 v57, v5  }
0x105: {  	v59 =	vshll.u32 v13, $0x10;
	v60 =	vmul.f32 v16, v4;
	[tilespmem:v11+s24+$0x0] =	vst.idx.add.f32.msk $0xffff, v15  }
0x106: {  	v61 =	vmul.f32 v59, v4;
	[tilespmem:v12+s24+$0x0] =	vst.idx.add.f32.msk $0xffff, v58;
	v62 =	vand.u32 $0xFFFF0000, v10  }
0x107: {  	s0 =	sadd.s32 $0x1, s0;
	[tilespmem:v9+s24+$0x0] =	vst.idx.add.f32.msk $0xffff, v60;
	v63 =	vshll.u32 v10, $0x10;
	v5 =	vmul.f32 v62, v1  }
0x108: {  	p0 =	sne.s32 s0, $0x13;
	[tilespmem:v8+s24+$0x0] =	vst.idx.add.f32.msk $0xffff, v61;
	v1 =	vmul.f32 v63, v1  }
.Ltmp3:
0x109: {  	s3 =	sadd.s32 $0xBB8, s3;
	[tilespmem:v3+s24+$0x0] =	vst.idx.add.f32.msk $0xffff, v5;
	(pc) =	sbr.rel @p0 .LBB2_4-.Ltmp3, $4  }
0x10a: {  	s20 =	sadd.s32 s5, s3;
	[tilespmem:v7+s24+$0x0] =	vst.idx.add.f32.msk $0xffff, v1  }
0x10b: {  	[tilespmem:s17], [sflag:$0x3] =	stream.linear.gather [hbm4b:s20+s2], $0x1F40, $0x38;
	[tilespmem:$0x18F80] =	vst v63  }
0x10c: {  	s3 =	sadd.s32 s1, s3  }
0x10d: {  	[tilespmem:s18], [sflag:$0x4] =	stream.linear.gather [hbm4b:s3+s2], $0x1F40, $0x38;
	[tilespmem:$0x18F80] =	vst v63  }
0x10e: {  	_ =	swait.ge [sflag:s22], $0x1F40  }
0x10f: {  	[sflag:s22] =	ssyncset.done $0x0  }
0x110: {  	[sflag:s22] =	ssyncadd.s32 $0xFFFFE0C0  }
0x111: {  	_ =	swait.ge [sflag:s23], $0x1F40  }
0x112: {  	[sflag:s23] =	ssyncset.done $0x0  }
0x113: {  	s0 =	simm.s32 $0x112A0;
	[sflag:s23] =	ssyncadd.s32 $0xFFFFE0C0  }
0x114: {  	v1 =	vld [tilespmem:s0+$0x10]  }
0x115: {  	v3 =	vld [tilespmem:s0+$0xFFFFFFE0];
	_ =	sdelay $0x3  }
0x116: {  	v5 =	vshrl.u32 v1, $0xE  }
0x117: {  	v2 =	vld [tilespmem:s0+$0xFFFFFFF0];
	v7 =	vshrl.u32 v3, $0xE  }
0x118: {  	v4 =	vld [tilespmem:s0+$0x0]  }
0x119: {  	s21 =	simm.s32 $0x15120  }
0x11a: {  	v10 =	vld [tilespmem:s21+$0x10]  }
0x11b: {  	v9 =	vld.idx.msk [tilespmem:v5+s2+$0x0], $0xffff  }
0x11c: {  	v6 =	vshrl.u32 v2, $0xE;
	v12 =	vld.idx.msk [tilespmem:v7+s2+$0x0], $0xffff  }
0x11d: {  	v13 =	vld [tilespmem:s21+$0xFFFFFFE0];
	v8 =	vshrl.u32 v4, $0xE  }
0x11e: {  	v1 =	vand.u32 $0x3FFF, v1  }
0x11f: {  	v17 =	vld [tilespmem:s21+$0xFFFFFFF0];
	v3 =	vand.u32 $0x3FFF, v3  }
0x120: {  	v19 =	vld [tilespmem:s21+$0x0];
	v14 =	vadd.s32 $0x2710, v1;
	v16 =	vand.u32 $0xFFFF0000, v9  }
0x121: {  	v18 =	vadd.s32 $0x2710, v3;
	v11 =	vld.idx.msk [tilespmem:v6+s2+$0x0], $0xffff;
	v20 =	vand.u32 $0xFFFF0000, v12;
	v16 =	vmul.f32 v16, v10  }
0x122: {  	v15 =	vld.idx.msk [tilespmem:v8+s2+$0x0], $0xffff;
	v5 =	vadd.s32 $0x2710, v5;
	v9 =	vshll.u32 v9, $0x10;
	v20 =	vmul.f32 v20, v13  }
0x123: {  	v7 =	vadd.s32 $0x2710, v7;
	v12 =	vshll.u32 v12, $0x10;
	v9 =	vmul.f32 v9, v10;
	[tilespmem:v1+s24+$0x0] =	vst.idx.add.f32.msk $0xffff, v16  }
0x124: {  	v2 =	vand.u32 $0x3FFF, v2;
	v12 =	vmul.f32 v12, v13;
	[tilespmem:v3+s24+$0x0] =	vst.idx.add.f32.msk $0xffff, v20  }
0x125: {  	v52 =	vadd.s32 $0x2710, v2;
	[tilespmem:v14+s24+$0x0] =	vst.idx.add.f32.msk $0xffff, v9  }
0x126: {  	v9 =	vand.u32 $0x3FFF, v4;
	v4 =	vand.u32 $0xFFFF0000, v11;
	[tilespmem:v18+s24+$0x0] =	vst.idx.add.f32.msk $0xffff, v12  }
0x127: {  	v11 =	vshll.u32 v11, $0x10;
	v5 =	vld.idx.msk [tilespmem:v5+s2+$0x0], $0xffff;
	v14 =	vadd.s32 $0x2710, v9;
	v4 =	vmul.f32 v4, v17  }
0x128: {  	v53 =	vand.u32 $0xFFFF0000, v15;
	v11 =	vmul.f32 v11, v17;
	v7 =	vld.idx.msk [tilespmem:v7+s2+$0x0], $0xffff  }
0x129: {  	v6 =	vadd.s32 $0x2710, v6;
	v12 =	vshll.u32 v15, $0x10;
	v15 =	vmul.f32 v53, v19;
	[tilespmem:v2+s24+$0x0] =	vst.idx.add.f32.msk $0xffff, v4  }
0x12a: {  	v4 =	vmul.f32 v12, v19;
	[tilespmem:v52+s24+$0x0] =	vst.idx.add.f32.msk $0xffff, v11;
	v11 =	vadd.s32 $0x4E20, v1  }
0x12b: {  	[tilespmem:v9+s24+$0x0] =	vst.idx.add.f32.msk $0xffff, v15  }
0x12c: {  	s28 =	simm.s32 $0x112E0;
	v1 =	vadd.s32 $0x7530, v1;
	[tilespmem:v14+s24+$0x0] =	vst.idx.add.f32.msk $0xffff, v4;
	v4 =	vand.u32 $0xFFFF0000, v5  }
0x12d: {  	v12 =	vld [tilespmem:s28+$0xFFFFFFE0];
	v4 =	vmul.f32 v4, v10  }
0x12e: {  	v6 =	vld.idx.msk [tilespmem:v6+s2+$0x0], $0xffff;
	v5 =	vshll.u32 v5, $0x10  }
0x12f: {  	v5 =	vmul.f32 v5, v10;
	v10 =	vadd.s32 $0x4E20, v3;
	[tilespmem:v11+s24+$0x0] =	vst.idx.add.f32.msk $0xffff, v4  }
0x130: {  	v4 =	vadd.s32 $0x2710, v8;
	v8 =	vld [tilespmem:s28+$0x10]  }
0x131: {  	v3 =	vadd.s32 $0x7530, v3;
	[tilespmem:v1+s24+$0x0] =	vst.idx.add.f32.msk $0xffff, v5;
	v5 =	vand.u32 $0xFFFF0000, v7  }
0x132: {  	v14 =	vld [tilespmem:s28+$0x0];
	v5 =	vmul.f32 v5, v13  }
0x133: {  	v11 =	vld [tilespmem:s28+$0xFFFFFFF0];
	v1 =	vadd.s32 $0x4E20, v2;
	v7 =	vshll.u32 v7, $0x10  }
0x134: {  	v2 =	vadd.s32 $0x7530, v2;
	v7 =	vmul.f32 v7, v13;
	[tilespmem:v10+s24+$0x0] =	vst.idx.add.f32.msk $0xffff, v5  }
0x135: {  	v15 =	vand.u32 $0xFFFF0000, v6;
	v13 =	vld.idx.msk [tilespmem:v4+s2+$0x0], $0xffff;
	v54 =	vshrl.u32 v8, $0xE  }
0x136: {  	s0 =	simm.s32 $0x15160;
	v4 =	vshll.u32 v6, $0x10;
	v6 =	vmul.f32 v15, v17;
	[tilespmem:v3+s24+$0x0] =	vst.idx.add.f32.msk $0xffff, v7;
	v3 =	vshrl.u32 v12, $0xE  }
0x137: {  	v15 =	vld [tilespmem:s0+$0x10];
	v4 =	vmul.f32 v4, v17  }
0x138: {  	[tilespmem:v1+s24+$0x0] =	vst.idx.add.f32.msk $0xffff, v6  }
0x139: {  	v10 =	vshrl.u32 v11, $0xE;
	[tilespmem:v2+s24+$0x0] =	vst.idx.add.f32.msk $0xffff, v4  }
0x13a: {  	v2 =	vld.idx.msk [tilespmem:v54+s2+$0x0], $0xffff  }
0x13b: {  	v6 =	vshrl.u32 v14, $0xE;
	v56 =	vld.idx.msk [tilespmem:v3+s2+$0x0], $0xffff  }
0x13c: {  	v55 =	vadd.s32 $0x4E20, v9;
	v5 =	vld [tilespmem:s0+$0xFFFFFFE0]  }
0x13d: {  	v8 =	vand.u32 $0x3FFF, v8;
	v4 =	vld [tilespmem:s0+$0xFFFFFFF0]  }
0x13e: {  	v12 =	vand.u32 $0x3FFF, v12;
	v58 =	vand.u32 $0x3FFF, v11;
	v7 =	vld.idx.msk [tilespmem:v10+s2+$0x0], $0xffff;
	v1 =	vand.u32 $0xFFFF0000, v13  }
0x13f: {  	v21 =	vadd.s32 $0x2710, v8;
	v22 =	vmul.f32 v1, v19;
	v1 =	vld [tilespmem:s0+$0x0];
	v23 =	vand.u32 $0xFFFF0000, v2  }
0x140: {  	v16 =	vadd.s32 $0x2710, v54;
	v57 =	vld.idx.msk [tilespmem:v6+s2+$0x0], $0xffff;
	v11 =	vand.u32 $0xFFFF0000, v56;
	v23 =	vmul.f32 v23, v15  }
0x141: {  	v24 =	vadd.s32 $0x2710, v12;
	[tilespmem:v55+s24+$0x0] =	vst.idx.add.f32.msk $0xffff, v22;
	v2 =	vshll.u32 v2, $0x10;
	v11 =	vmul.f32 v11, v5  }
0x142: {  	v2 =	vmul.f32 v2, v15;
	[tilespmem:v8+s24+$0x0] =	vst.idx.add.f32.msk $0xffff, v23  }
0x143: {  	v60 =	vand.u32 $0x3FFF, v14;
	v59 =	vadd.s32 $0x2710, v58;
	v18 =	vshll.u32 v56, $0x10;
	[tilespmem:v12+s24+$0x0] =	vst.idx.add.f32.msk $0xffff, v11  }
0x144: {  	v3 =	vadd.s32 $0x2710, v3;
	v14 =	vmul.f32 v18, v5;
	[tilespmem:v21+s24+$0x0] =	vst.idx.add.f32.msk $0xffff, v2;
	v2 =	vand.u32 $0xFFFF0000, v7  }
0x145: {  	v7 =	vshll.u32 v7, $0x10;
	v16 =	vld.idx.msk [tilespmem:v16+s2+$0x0], $0xffff;
	v2 =	vmul.f32 v2, v4  }
0x146: {  	v61 =	vadd.s32 $0x2710, v60;
	[tilespmem:v24+s24+$0x0] =	vst.idx.add.f32.msk $0xffff, v14;
	v7 =	vmul.f32 v7, v4  }
0x147: {  	v62 =	vadd.s32 $0x2710, v10;
	v11 =	vand.u32 $0xFFFF0000, v57;
	[tilespmem:v58+s24+$0x0] =	vst.idx.add.f32.msk $0xffff, v2  }
0x148: {  	v10 =	vshll.u32 v57, $0x10;
	v11 =	vmul.f32 v11, v1;
	[tilespmem:v59+s24+$0x0] =	vst.idx.add.f32.msk $0xffff, v7;
	v7 =	vadd.s32 $0x4E20, v8  }
0x149: {  	v63 =	vadd.s32 $0x7530, v8;
	v10 =	vmul.f32 v10, v1;
	v14 =	vld.idx.msk [tilespmem:v3+s2+$0x0], $0xffff  }
0x14a: {  	[tilespmem:v60+s24+$0x0] =	vst.idx.add.f32.msk $0xffff, v11;
	v11 =	vadd.s32 $0x4E20, v12;
	v8 =	vand.u32 $0xFFFF0000, v16  }
0x14b: {  	v12 =	vadd.s32 $0x7530, v12;
	[tilespmem:v61+s24+$0x0] =	vst.idx.add.f32.msk $0xffff, v10;
	v3 =	vshll.u32 v16, $0x10;
	v8 =	vmul.f32 v8, v15  }
0x14c: {  	v10 =	vadd.s32 $0x2710, v6;
	v6 =	vshll.u32 v13, $0x10;
	v13 =	vld.idx.msk [tilespmem:v62+s2+$0x0], $0xffff;
	v15 =	vmul.f32 v3, v15  }
0x14d: {  	v2 =	vadd.s32 $0x7530, v9;
	v9 =	vadd.s32 $0x4E20, v58;
	v6 =	vmul.f32 v6, v19;
	[tilespmem:v7+s24+$0x0] =	vst.idx.add.f32.msk $0xffff, v8  }
0x14e: {  	s3 =	simm.s32 $0x40;
	s20 =	simm.s32 $0x11320;
	v3 =	vadd.s32 $0x4E20, v60;
	v8 =	vadd.s32 $0x7530, v58;
	v7 =	vadd.s32 $0x7530, v60;
	[tilespmem:v63+s24+$0x0] =	vst.idx.add.f32.msk $0xffff, v15  }
.LBB2_10:
0x14f: {  	v15 =	vld [tilespmem:s20+$0x10]  }
0x150: {  	v16 =	vld [tilespmem:s20+$0xFFFFFFF0]  }
0x151: {  	s3 =	sadd.s32 $0x40, s3;
	v18 =	vand.u32 $0xFFFF0000, v14;
	v14 =	vshll.u32 v14, $0x10;
	v17 =	vld [tilespmem:s20+$0x0]  }
0x152: {  	p0 =	slt.u32 s3, $0x1F00;
	v18 =	vmul.f32 v18, v5;
	v20 =	vand.u32 $0xFFFF0000, v13;
	v13 =	vshll.u32 v13, $0x10;
	v19 =	vld [tilespmem:s20+$0xFFFFFFE0]  }
0x153: {  	v5 =	vmul.f32 v14, v5;
	v14 =	vmul.f32 v20, v4;
	v20 =	vld.idx.msk [tilespmem:v10+s2+$0x0], $0xffff  }
0x154: {  	v4 =	vmul.f32 v13, v4;
	v21 =	vshrl.u32 v15, $0xE;
	[tilespmem:v11+s24+$0x0] =	vst.idx.add.f32.msk $0xffff, v18  }
0x155: {  	v13 =	vshrl.u32 v16, $0xE;
	v16 =	vand.u32 $0x3FFF, v16;
	[tilespmem:v12+s24+$0x0] =	vst.idx.add.f32.msk $0xffff, v5  }
0x156: {  	v18 =	vadd.s32 $0x2710, v16;
	v5 =	vshrl.u32 v17, $0xE;
	v17 =	vand.u32 $0x3FFF, v17;
	[tilespmem:v9+s24+$0x0] =	vst.idx.add.f32.msk $0xffff, v14  }
0x157: {  	v14 =	vshrl.u32 v19, $0xE;
	v19 =	vand.u32 $0x3FFF, v19;
	v22 =	vadd.s32 $0x2710, v17;
	[tilespmem:v8+s24+$0x0] =	vst.idx.add.f32.msk $0xffff, v4  }
0x158: {  	v25 =	vadd.s32 $0x2710, v13;
	v23 =	vadd.s32 $0x2710, v19;
	v24 =	vadd.s32 $0x2710, v14;
	[tilespmem:v2+s24+$0x0] =	vst.idx.add.f32.msk $0xffff, v6;
	v2 =	vmovc v7  }
0x159: {  	v10 =	vadd.s32 $0x2710, v5;
	v4 =	vand.u32 $0xFFFF0000, v20;
	v6 =	vshll.u32 v20, $0x10;
	v26 =	vld.idx.msk [tilespmem:v21+s2+$0x0], $0xffff  }
0x15a: {  	s0 =	sadd.s32 $0x40, s0;
	v11 =	vadd.s32 $0x4E20, v19;
	v20 =	vmul.f32 v4, v1;
	v6 =	vmul.f32 v6, v1;
	v13 =	vld.idx.msk [tilespmem:v13+s2+$0x0], $0xffff  }
0x15b: {  	v9 =	vadd.s32 $0x4E20, v16;
	v8 =	vadd.s32 $0x7530, v16;
	v12 =	vadd.s32 $0x7530, v19;
	v27 =	vld [tilespmem:s0+$0x10]  }
0x15c: {  	v28 =	vadd.s32 $0x4E20, v17;
	v7 =	vadd.s32 $0x7530, v17;
	v14 =	vld.idx.msk [tilespmem:v14+s2+$0x0], $0xffff  }
0x15d: {  	v15 =	vand.u32 $0x3FFF, v15;
	v29 =	vld.idx.msk [tilespmem:v5+s2+$0x0], $0xffff  }
0x15e: {  	v30 =	vadd.s32 $0x2710, v15;
	v5 =	vld [tilespmem:s0+$0xFFFFFFE0]  }
0x15f: {  	v21 =	vadd.s32 $0x2710, v21;
	v31 =	vand.u32 $0xFFFF0000, v26;
	v4 =	vld [tilespmem:s0+$0xFFFFFFF0]  }
0x160: {  	v26 =	vshll.u32 v26, $0x10;
	v32 =	vand.u32 $0xFFFF0000, v13;
	v1 =	vld [tilespmem:s0+$0x0];
	v31 =	vmul.f32 v31, v27  }
0x161: {  	v13 =	vshll.u32 v13, $0x10;
	v26 =	vmul.f32 v26, v27;
	[tilespmem:v3+s24+$0x0] =	vst.idx.add.f32.msk $0xffff, v20;
	v3 =	vmov v28  }
0x162: {  	v20 =	vand.u32 $0xFFFF0000, v14;
	v14 =	vshll.u32 v14, $0x10;
	[tilespmem:v15+s24+$0x0] =	vst.idx.add.f32.msk $0xffff, v31  }
0x163: {  	v28 =	vand.u32 $0xFFFF0000, v29;
	v29 =	vshll.u32 v29, $0x10;
	v20 =	vmul.f32 v20, v5;
	[tilespmem:v30+s24+$0x0] =	vst.idx.add.f32.msk $0xffff, v26  }
0x164: {  	v14 =	vmul.f32 v14, v5;
	v26 =	vmul.f32 v32, v4;
	v21 =	vld.idx.msk [tilespmem:v21+s2+$0x0], $0xffff  }
0x165: {  	v13 =	vmul.f32 v13, v4;
	[tilespmem:v19+s24+$0x0] =	vst.idx.add.f32.msk $0xffff, v20;
	v19 =	vmul.f32 v28, v1  }
0x166: {  	[tilespmem:v23+s24+$0x0] =	vst.idx.add.f32.msk $0xffff, v14;
	v14 =	vmul.f32 v29, v1  }
0x167: {  	[tilespmem:v16+s24+$0x0] =	vst.idx.add.f32.msk $0xffff, v26  }
0x168: {  	v16 =	vadd.s32 $0x4E20, v15;
	[tilespmem:v18+s24+$0x0] =	vst.idx.add.f32.msk $0xffff, v13  }
0x169: {  	v15 =	vadd.s32 $0x7530, v15;
	[tilespmem:v17+s24+$0x0] =	vst.idx.add.f32.msk $0xffff, v19  }
.Ltmp4:
0x16a: {  	v13 =	vand.u32 $0xFFFF0000, v21;
	[tilespmem:v22+s24+$0x0] =	vst.idx.add.f32.msk $0xffff, v14;
	(pc) =	sbr.rel @p0 .LBB2_10-.Ltmp4, $4  }
0x16b: {  	v17 =	vshll.u32 v21, $0x10;
	v18 =	vmul.f32 v13, v27;
	v14 =	vld.idx.msk [tilespmem:v24+s2+$0x0], $0xffff  }
0x16c: {  	v17 =	vmul.f32 v17, v27;
	v13 =	vld.idx.msk [tilespmem:v25+s2+$0x0], $0xffff  }
0x16d: {  	[tilespmem:v16+s24+$0x0] =	vst.idx.add.f32.msk $0xffff, v18  }
0x16e: {  	s20 =	sadd.s32 $0x40, s20;
	[tilespmem:v15+s24+$0x0] =	vst.idx.add.f32.msk $0xffff, v17  }
0x16f: {  	_ =	sdelay $0x3  }
0x170: {  	v10 =	vld.idx.msk [tilespmem:v10+s2+$0x0], $0xffff;
	v15 =	vand.u32 $0xFFFF0000, v14  }
0x171: {  	v14 =	vshll.u32 v14, $0x10;
	v15 =	vmul.f32 v15, v5  }
0x172: {  	v16 =	vand.u32 $0xFFFF0000, v13;
	v5 =	vmul.f32 v14, v5  }
0x173: {  	v13 =	vshll.u32 v13, $0x10;
	v14 =	vmul.f32 v16, v4;
	[tilespmem:v11+s24+$0x0] =	vst.idx.add.f32.msk $0xffff, v15  }
0x174: {  	v4 =	vmul.f32 v13, v4;
	[tilespmem:v12+s24+$0x0] =	vst.idx.add.f32.msk $0xffff, v5  }
0x175: {  	[tilespmem:v9+s24+$0x0] =	vst.idx.add.f32.msk $0xffff, v14;
	v5 =	vand.u32 $0xFFFF0000, v10  }
0x176: {  	[tilespmem:v8+s24+$0x0] =	vst.idx.add.f32.msk $0xffff, v4;
	v4 =	vshll.u32 v10, $0x10;
	v5 =	vmul.f32 v5, v1  }
0x177: {  	[tilespmem:v2+s24+$0x0] =	vst.idx.add.f32.msk $0xffff, v6;
	v1 =	vmul.f32 v4, v1  }
0x178: {  	[tilespmem:v3+s24+$0x0] =	vst.idx.add.f32.msk $0xffff, v5  }
0x179: {  	[tilespmem:v7+s24+$0x0] =	vst.idx.add.f32.msk $0xffff, v1  }
0x17a: {  	_ =	swait.ge [sflag:s25], $0x1F40  }
0x17b: {  	[sflag:s25] =	ssyncset.done $0x0  }
0x17c: {  	[sflag:s25] =	ssyncadd.s32 $0xFFFFE0C0  }
0x17d: {  	_ =	swait.ge [sflag:s26], $0x1F40  }
0x17e: {  	[sflag:s26] =	ssyncset.done $0x0  }
0x17f: {  	s0 =	simm.s32 $0x131F0;
	[sflag:s26] =	ssyncadd.s32 $0xFFFFE0C0  }
0x180: {  	v1 =	vld [tilespmem:s0+$0x0]  }
0x181: {  	v3 =	vld [tilespmem:s0+$0xFFFFFFD0];
	_ =	sdelay $0x3  }
0x182: {  	v5 =	vshrl.u32 v1, $0xE  }
0x183: {  	v2 =	vld [tilespmem:s0+$0xFFFFFFE0];
	v7 =	vshrl.u32 v3, $0xE  }
0x184: {  	v4 =	vld [tilespmem:s0+$0xFFFFFFF0]  }
0x185: {  	s20 =	simm.s32 $0x17070  }
0x186: {  	s3 =	simm.s32 $0x0;
	v10 =	vld [tilespmem:s20+$0x0]  }
0x187: {  	v9 =	vld.idx.msk [tilespmem:v5+s3+$0x0], $0xffff  }
0x188: {  	v6 =	vshrl.u32 v2, $0xE;
	v12 =	vld.idx.msk [tilespmem:v7+s3+$0x0], $0xffff  }
0x189: {  	v13 =	vld [tilespmem:s20+$0xFFFFFFD0];
	v8 =	vshrl.u32 v4, $0xE  }
0x18a: {  	v1 =	vand.u32 $0x3FFF, v1  }
0x18b: {  	v17 =	vld [tilespmem:s20+$0xFFFFFFE0];
	v3 =	vand.u32 $0x3FFF, v3  }
0x18c: {  	v19 =	vld [tilespmem:s20+$0xFFFFFFF0];
	v14 =	vadd.s32 $0x2710, v1;
	v51 =	vand.u32 $0xFFFF0000, v9  }
0x18d: {  	v18 =	vadd.s32 $0x2710, v3;
	v11 =	vld.idx.msk [tilespmem:v6+s3+$0x0], $0xffff;
	v20 =	vand.u32 $0xFFFF0000, v12;
	v16 =	vmul.f32 v51, v10  }
0x18e: {  	v15 =	vld.idx.msk [tilespmem:v8+s3+$0x0], $0xffff;
	v5 =	vadd.s32 $0x2710, v5;
	v9 =	vshll.u32 v9, $0x10;
	v20 =	vmul.f32 v20, v13  }
0x18f: {  	v7 =	vadd.s32 $0x2710, v7;
	v12 =	vshll.u32 v12, $0x10;
	v9 =	vmul.f32 v9, v10;
	[tilespmem:v1+s24+$0x0] =	vst.idx.add.f32.msk $0xffff, v16  }
0x190: {  	v2 =	vand.u32 $0x3FFF, v2;
	v12 =	vmul.f32 v12, v13;
	[tilespmem:v3+s24+$0x0] =	vst.idx.add.f32.msk $0xffff, v20  }
0x191: {  	v52 =	vadd.s32 $0x2710, v2;
	[tilespmem:v14+s24+$0x0] =	vst.idx.add.f32.msk $0xffff, v9  }
0x192: {  	v9 =	vand.u32 $0x3FFF, v4;
	v4 =	vand.u32 $0xFFFF0000, v11;
	[tilespmem:v18+s24+$0x0] =	vst.idx.add.f32.msk $0xffff, v12  }
0x193: {  	v11 =	vshll.u32 v11, $0x10;
	v5 =	vld.idx.msk [tilespmem:v5+s3+$0x0], $0xffff;
	v14 =	vadd.s32 $0x2710, v9;
	v4 =	vmul.f32 v4, v17  }
0x194: {  	v53 =	vand.u32 $0xFFFF0000, v15;
	v11 =	vmul.f32 v11, v17;
	v7 =	vld.idx.msk [tilespmem:v7+s3+$0x0], $0xffff  }
0x195: {  	v6 =	vadd.s32 $0x2710, v6;
	v12 =	vshll.u32 v15, $0x10;
	v15 =	vmul.f32 v53, v19;
	[tilespmem:v2+s24+$0x0] =	vst.idx.add.f32.msk $0xffff, v4  }
0x196: {  	v4 =	vmul.f32 v12, v19;
	[tilespmem:v52+s24+$0x0] =	vst.idx.add.f32.msk $0xffff, v11;
	v11 =	vadd.s32 $0x4E20, v1  }
0x197: {  	[tilespmem:v9+s24+$0x0] =	vst.idx.add.f32.msk $0xffff, v15  }
0x198: {  	s21 =	simm.s32 $0x13230;
	v1 =	vadd.s32 $0x7530, v1;
	[tilespmem:v14+s24+$0x0] =	vst.idx.add.f32.msk $0xffff, v4;
	v4 =	vand.u32 $0xFFFF0000, v5  }
0x199: {  	v12 =	vld [tilespmem:s21+$0xFFFFFFD0];
	v4 =	vmul.f32 v4, v10  }
0x19a: {  	v6 =	vld.idx.msk [tilespmem:v6+s3+$0x0], $0xffff;
	v5 =	vshll.u32 v5, $0x10  }
0x19b: {  	v5 =	vmul.f32 v5, v10;
	v10 =	vadd.s32 $0x4E20, v3;
	[tilespmem:v11+s24+$0x0] =	vst.idx.add.f32.msk $0xffff, v4  }
0x19c: {  	v4 =	vadd.s32 $0x2710, v8;
	v8 =	vld [tilespmem:s21+$0x0]  }
0x19d: {  	v3 =	vadd.s32 $0x7530, v3;
	[tilespmem:v1+s24+$0x0] =	vst.idx.add.f32.msk $0xffff, v5;
	v5 =	vand.u32 $0xFFFF0000, v7  }
0x19e: {  	v14 =	vld [tilespmem:s21+$0xFFFFFFF0];
	v5 =	vmul.f32 v5, v13  }
0x19f: {  	v11 =	vld [tilespmem:s21+$0xFFFFFFE0];
	v1 =	vadd.s32 $0x4E20, v2;
	v7 =	vshll.u32 v7, $0x10  }
0x1a0: {  	v2 =	vadd.s32 $0x7530, v2;
	v7 =	vmul.f32 v7, v13;
	[tilespmem:v10+s24+$0x0] =	vst.idx.add.f32.msk $0xffff, v5  }
0x1a1: {  	v15 =	vand.u32 $0xFFFF0000, v6;
	v13 =	vld.idx.msk [tilespmem:v4+s3+$0x0], $0xffff;
	v54 =	vshrl.u32 v8, $0xE  }
0x1a2: {  	s20 =	simm.s32 $0x170B0;
	v4 =	vshll.u32 v6, $0x10;
	v6 =	vmul.f32 v15, v17;
	[tilespmem:v3+s24+$0x0] =	vst.idx.add.f32.msk $0xffff, v7;
	v3 =	vshrl.u32 v12, $0xE  }
0x1a3: {  	v15 =	vld [tilespmem:s20+$0x0];
	v4 =	vmul.f32 v4, v17  }
0x1a4: {  	[tilespmem:v1+s24+$0x0] =	vst.idx.add.f32.msk $0xffff, v6  }
0x1a5: {  	v10 =	vshrl.u32 v11, $0xE;
	[tilespmem:v2+s24+$0x0] =	vst.idx.add.f32.msk $0xffff, v4  }
0x1a6: {  	v2 =	vld.idx.msk [tilespmem:v54+s3+$0x0], $0xffff  }
0x1a7: {  	v6 =	vshrl.u32 v14, $0xE;
	v56 =	vld.idx.msk [tilespmem:v3+s3+$0x0], $0xffff  }
0x1a8: {  	v55 =	vadd.s32 $0x4E20, v9;
	v5 =	vld [tilespmem:s20+$0xFFFFFFD0]  }
0x1a9: {  	v8 =	vand.u32 $0x3FFF, v8;
	v4 =	vld [tilespmem:s20+$0xFFFFFFE0]  }
0x1aa: {  	v12 =	vand.u32 $0x3FFF, v12;
	v58 =	vand.u32 $0x3FFF, v11;
	v7 =	vld.idx.msk [tilespmem:v10+s3+$0x0], $0xffff;
	v1 =	vand.u32 $0xFFFF0000, v13  }
0x1ab: {  	v21 =	vadd.s32 $0x2710, v8;
	v22 =	vmul.f32 v1, v19;
	v1 =	vld [tilespmem:s20+$0xFFFFFFF0];
	v23 =	vand.u32 $0xFFFF0000, v2  }
0x1ac: {  	v16 =	vadd.s32 $0x2710, v54;
	v57 =	vld.idx.msk [tilespmem:v6+s3+$0x0], $0xffff;
	v11 =	vand.u32 $0xFFFF0000, v56;
	v23 =	vmul.f32 v23, v15  }
0x1ad: {  	v24 =	vadd.s32 $0x2710, v12;
	[tilespmem:v55+s24+$0x0] =	vst.idx.add.f32.msk $0xffff, v22;
	v2 =	vshll.u32 v2, $0x10;
	v11 =	vmul.f32 v11, v5  }
0x1ae: {  	v2 =	vmul.f32 v2, v15;
	[tilespmem:v8+s24+$0x0] =	vst.idx.add.f32.msk $0xffff, v23  }
0x1af: {  	v60 =	vand.u32 $0x3FFF, v14;
	v59 =	vadd.s32 $0x2710, v58;
	v18 =	vshll.u32 v56, $0x10;
	[tilespmem:v12+s24+$0x0] =	vst.idx.add.f32.msk $0xffff, v11  }
0x1b0: {  	v3 =	vadd.s32 $0x2710, v3;
	v14 =	vmul.f32 v18, v5;
	[tilespmem:v21+s24+$0x0] =	vst.idx.add.f32.msk $0xffff, v2;
	v2 =	vand.u32 $0xFFFF0000, v7  }
0x1b1: {  	v7 =	vshll.u32 v7, $0x10;
	v16 =	vld.idx.msk [tilespmem:v16+s3+$0x0], $0xffff;
	v2 =	vmul.f32 v2, v4  }
0x1b2: {  	v61 =	vadd.s32 $0x2710, v60;
	[tilespmem:v24+s24+$0x0] =	vst.idx.add.f32.msk $0xffff, v14;
	v7 =	vmul.f32 v7, v4  }
0x1b3: {  	v62 =	vadd.s32 $0x2710, v10;
	v11 =	vand.u32 $0xFFFF0000, v57;
	[tilespmem:v58+s24+$0x0] =	vst.idx.add.f32.msk $0xffff, v2  }
0x1b4: {  	v10 =	vshll.u32 v57, $0x10;
	v11 =	vmul.f32 v11, v1;
	[tilespmem:v59+s24+$0x0] =	vst.idx.add.f32.msk $0xffff, v7;
	v7 =	vadd.s32 $0x4E20, v8  }
0x1b5: {  	v63 =	vadd.s32 $0x7530, v8;
	v10 =	vmul.f32 v10, v1;
	v14 =	vld.idx.msk [tilespmem:v3+s3+$0x0], $0xffff  }
0x1b6: {  	[tilespmem:v60+s24+$0x0] =	vst.idx.add.f32.msk $0xffff, v11;
	v11 =	vadd.s32 $0x4E20, v12;
	v8 =	vand.u32 $0xFFFF0000, v16  }
0x1b7: {  	v12 =	vadd.s32 $0x7530, v12;
	[tilespmem:v61+s24+$0x0] =	vst.idx.add.f32.msk $0xffff, v10;
	v3 =	vshll.u32 v16, $0x10;
	v8 =	vmul.f32 v8, v15  }
0x1b8: {  	v10 =	vadd.s32 $0x2710, v6;
	v6 =	vshll.u32 v13, $0x10;
	v13 =	vld.idx.msk [tilespmem:v62+s3+$0x0], $0xffff;
	v15 =	vmul.f32 v3, v15  }
0x1b9: {  	v2 =	vadd.s32 $0x7530, v9;
	v9 =	vadd.s32 $0x4E20, v58;
	v6 =	vmul.f32 v6, v19;
	[tilespmem:v7+s24+$0x0] =	vst.idx.add.f32.msk $0xffff, v8  }
0x1ba: {  	s28 =	simm.s32 $0x13270;
	s0 =	simm.s32 $0x0;
	s21 =	simm.s32 $0x40;
	v3 =	vadd.s32 $0x4E20, v60;
	v8 =	vadd.s32 $0x7530, v58;
	v7 =	vadd.s32 $0x7530, v60;
	[tilespmem:v63+s24+$0x0] =	vst.idx.add.f32.msk $0xffff, v15  }
.LBB2_12:
0x1bb: {  	v15 =	vld [tilespmem:s28+$0x0]  }
0x1bc: {  	v16 =	vld [tilespmem:s28+$0xFFFFFFE0]  }
0x1bd: {  	s21 =	sadd.s32 $0x40, s21;
	v18 =	vand.u32 $0xFFFF0000, v14;
	v14 =	vshll.u32 v14, $0x10;
	v17 =	vld [tilespmem:s28+$0xFFFFFFF0]  }
0x1be: {  	p0 =	slt.u32 s21, $0x1F00;
	v18 =	vmul.f32 v18, v5;
	v20 =	vand.u32 $0xFFFF0000, v13;
	v13 =	vshll.u32 v13, $0x10;
	v19 =	vld [tilespmem:s28+$0xFFFFFFD0]  }
0x1bf: {  	v5 =	vmul.f32 v14, v5;
	v14 =	vmul.f32 v20, v4;
	v20 =	vld.idx.msk [tilespmem:v10+s3+$0x0], $0xffff  }
0x1c0: {  	v4 =	vmul.f32 v13, v4;
	v21 =	vshrl.u32 v15, $0xE;
	[tilespmem:v11+s24+$0x0] =	vst.idx.add.f32.msk $0xffff, v18  }
0x1c1: {  	v13 =	vshrl.u32 v16, $0xE;
	v16 =	vand.u32 $0x3FFF, v16;
	[tilespmem:v12+s24+$0x0] =	vst.idx.add.f32.msk $0xffff, v5  }
0x1c2: {  	v18 =	vadd.s32 $0x2710, v16;
	v5 =	vshrl.u32 v17, $0xE;
	v17 =	vand.u32 $0x3FFF, v17;
	[tilespmem:v9+s24+$0x0] =	vst.idx.add.f32.msk $0xffff, v14  }
0x1c3: {  	v14 =	vshrl.u32 v19, $0xE;
	v19 =	vand.u32 $0x3FFF, v19;
	v22 =	vadd.s32 $0x2710, v17;
	[tilespmem:v8+s24+$0x0] =	vst.idx.add.f32.msk $0xffff, v4  }
0x1c4: {  	v25 =	vadd.s32 $0x2710, v13;
	v23 =	vadd.s32 $0x2710, v19;
	v24 =	vadd.s32 $0x2710, v14;
	[tilespmem:v2+s24+$0x0] =	vst.idx.add.f32.msk $0xffff, v6;
	v2 =	vmovc v7  }
0x1c5: {  	v10 =	vadd.s32 $0x2710, v5;
	v4 =	vand.u32 $0xFFFF0000, v20;
	v6 =	vshll.u32 v20, $0x10;
	v26 =	vld.idx.msk [tilespmem:v21+s3+$0x0], $0xffff  }
0x1c6: {  	s20 =	sadd.s32 $0x40, s20;
	v11 =	vadd.s32 $0x4E20, v19;
	v20 =	vmul.f32 v4, v1;
	v6 =	vmul.f32 v6, v1;
	v13 =	vld.idx.msk [tilespmem:v13+s3+$0x0], $0xffff  }
0x1c7: {  	v9 =	vadd.s32 $0x4E20, v16;
	v8 =	vadd.s32 $0x7530, v16;
	v12 =	vadd.s32 $0x7530, v19;
	v27 =	vld [tilespmem:s20+$0x0]  }
0x1c8: {  	v28 =	vadd.s32 $0x4E20, v17;
	v7 =	vadd.s32 $0x7530, v17;
	v14 =	vld.idx.msk [tilespmem:v14+s3+$0x0], $0xffff  }
0x1c9: {  	v15 =	vand.u32 $0x3FFF, v15;
	v29 =	vld.idx.msk [tilespmem:v5+s3+$0x0], $0xffff  }
0x1ca: {  	v30 =	vadd.s32 $0x2710, v15;
	v5 =	vld [tilespmem:s20+$0xFFFFFFD0]  }
0x1cb: {  	v21 =	vadd.s32 $0x2710, v21;
	v31 =	vand.u32 $0xFFFF0000, v26;
	v4 =	vld [tilespmem:s20+$0xFFFFFFE0]  }
0x1cc: {  	v26 =	vshll.u32 v26, $0x10;
	v32 =	vand.u32 $0xFFFF0000, v13;
	v1 =	vld [tilespmem:s20+$0xFFFFFFF0];
	v31 =	vmul.f32 v31, v27  }
0x1cd: {  	v13 =	vshll.u32 v13, $0x10;
	v26 =	vmul.f32 v26, v27;
	[tilespmem:v3+s24+$0x0] =	vst.idx.add.f32.msk $0xffff, v20;
	v3 =	vmov v28  }
0x1ce: {  	v20 =	vand.u32 $0xFFFF0000, v14;
	v14 =	vshll.u32 v14, $0x10;
	[tilespmem:v15+s24+$0x0] =	vst.idx.add.f32.msk $0xffff, v31  }
0x1cf: {  	v28 =	vand.u32 $0xFFFF0000, v29;
	v29 =	vshll.u32 v29, $0x10;
	v20 =	vmul.f32 v20, v5;
	[tilespmem:v30+s24+$0x0] =	vst.idx.add.f32.msk $0xffff, v26  }
0x1d0: {  	v14 =	vmul.f32 v14, v5;
	v26 =	vmul.f32 v32, v4;
	v21 =	vld.idx.msk [tilespmem:v21+s3+$0x0], $0xffff  }
0x1d1: {  	v13 =	vmul.f32 v13, v4;
	[tilespmem:v19+s24+$0x0] =	vst.idx.add.f32.msk $0xffff, v20;
	v19 =	vmul.f32 v28, v1  }
0x1d2: {  	[tilespmem:v23+s24+$0x0] =	vst.idx.add.f32.msk $0xffff, v14;
	v14 =	vmul.f32 v29, v1  }
0x1d3: {  	[tilespmem:v16+s24+$0x0] =	vst.idx.add.f32.msk $0xffff, v26  }
0x1d4: {  	v16 =	vadd.s32 $0x4E20, v15;
	[tilespmem:v18+s24+$0x0] =	vst.idx.add.f32.msk $0xffff, v13  }
0x1d5: {  	v15 =	vadd.s32 $0x7530, v15;
	[tilespmem:v17+s24+$0x0] =	vst.idx.add.f32.msk $0xffff, v19  }
.Ltmp5:
0x1d6: {  	v13 =	vand.u32 $0xFFFF0000, v21;
	[tilespmem:v22+s24+$0x0] =	vst.idx.add.f32.msk $0xffff, v14;
	(pc) =	sbr.rel @p0 .LBB2_12-.Ltmp5, $4  }
0x1d7: {  	v17 =	vshll.u32 v21, $0x10;
	v18 =	vmul.f32 v13, v27;
	v14 =	vld.idx.msk [tilespmem:v24+s3+$0x0], $0xffff  }
0x1d8: {  	v17 =	vmul.f32 v17, v27;
	v13 =	vld.idx.msk [tilespmem:v25+s3+$0x0], $0xffff  }
0x1d9: {  	[tilespmem:v16+s24+$0x0] =	vst.idx.add.f32.msk $0xffff, v18  }
0x1da: {  	s28 =	sadd.s32 $0x40, s28;
	[tilespmem:v15+s24+$0x0] =	vst.idx.add.f32.msk $0xffff, v17  }
0x1db: {  	_ =	sdelay $0x3  }
0x1dc: {  	v10 =	vld.idx.msk [tilespmem:v10+s3+$0x0], $0xffff;
	v15 =	vand.u32 $0xFFFF0000, v14  }
0x1dd: {  	v14 =	vshll.u32 v14, $0x10;
	v15 =	vmul.f32 v15, v5  }
0x1de: {  	v16 =	vand.u32 $0xFFFF0000, v13;
	v5 =	vmul.f32 v14, v5  }
0x1df: {  	v13 =	vshll.u32 v13, $0x10;
	v14 =	vmul.f32 v16, v4;
	[tilespmem:v11+s24+$0x0] =	vst.idx.add.f32.msk $0xffff, v15  }
0x1e0: {  	v4 =	vmul.f32 v13, v4;
	[tilespmem:v12+s24+$0x0] =	vst.idx.add.f32.msk $0xffff, v5  }
0x1e1: {  	[tilespmem:v9+s24+$0x0] =	vst.idx.add.f32.msk $0xffff, v14;
	v5 =	vand.u32 $0xFFFF0000, v10  }
0x1e2: {  	[tilespmem:v8+s24+$0x0] =	vst.idx.add.f32.msk $0xffff, v4;
	v4 =	vshll.u32 v10, $0x10;
	v5 =	vmul.f32 v5, v1  }
0x1e3: {  	[tilespmem:v2+s24+$0x0] =	vst.idx.add.f32.msk $0xffff, v6;
	v1 =	vmul.f32 v4, v1  }
0x1e4: {  	[tilespmem:v3+s24+$0x0] =	vst.idx.add.f32.msk $0xffff, v5  }
0x1e5: {  	s3 =	simm.s32 $0x0;
	[tilespmem:v7+s24+$0x0] =	vst.idx.add.f32.msk $0xffff, v1  }
0x1e6: {  	v2 =	vld [tilespmem:s3+$0x2740]  }
0x1e7: {  	v3 =	vld [tilespmem:s3+$0xC3E0]  }
0x1e8: {  	v4 =	vld [tilespmem:s3+$0x0]  }
0x1e9: {  	v1 =	vld [tilespmem:s3+$0xEB30]  }
0x1ea: {  	v5 =	vld [tilespmem:s3+$0x2710]  }
0x1eb: {  	v6 =	vld [tilespmem:s3+$0x10]  }
0x1ec: {  	v7 =	vld [tilespmem:s3+$0x2720]  }
0x1ed: {  	v8 =	vld [tilespmem:s3+$0x20]  }
0x1ee: {  	v9 =	vld [tilespmem:s3+$0x2730]  }
0x1ef: {  	v16 =	vld [tilespmem:s3+$0x30]  }
0x1f0: {  	v10 =	vld [tilespmem:s3+$0x4E80]  }
0x1f1: {  	v11 =	vld [tilespmem:s3+$0x7590]  }
0x1f2: {  	v12 =	vld [tilespmem:s3+$0x9CA0]  }
0x1f3: {  	v13 =	vld [tilespmem:s3+$0xC3B0]  }
0x1f4: {  	v14 =	vld [tilespmem:s3+$0x4E90]  }
0x1f5: {  	v17 =	vld [tilespmem:s3+$0x75A0]  }
0x1f6: {  	v18 =	vld [tilespmem:s3+$0x9CB0];
	v15 =	vshll.u32 v2, $0x10  }
0x1f7: {  	v19 =	vld [tilespmem:s3+$0xC3C0];
	v2 =	vand.u32 $0xFFFF0000, v2;
	v3 =	vadd.f32 v15, v3  }
0x1f8: {  	v22 =	vld [tilespmem:s3+$0x4EA0];
	v21 =	vand.u32 $0xFFFF0000, v5;
	v23 =	vshll.u32 v5, $0x10;
	v26 =	vshll.u32 v9, $0x10  }
0x1f9: {  	v24 =	vld [tilespmem:s3+$0x75B0];
	v15 =	vand.u32 $0xFFFF0000, v4;
	v4 =	vshll.u32 v4, $0x10;
	v20 =	vmul.f32 v3, v1  }
0x1fa: {  	v25 =	vld [tilespmem:s3+$0xC3D0];
	v3 =	vadd.f32 v15, v10;
	v10 =	vand.u32 $0xFFFF0000, v6;
	v6 =	vshll.u32 v6, $0x10  }
0x1fb: {  	v5 =	vadd.f32 v4, v11;
	v4 =	vld [tilespmem:s3+$0x9CC0];
	v11 =	vand.u32 $0xFFFF0000, v7;
	v15 =	vadd.f32 v6, v17  }
0x1fc: {  	[tilespmem:s3+$0xC3E0] =	vst v20;
	v20 =	vshll.u32 v7, $0x10;
	v7 =	vadd.f32 v21, v12;
	v12 =	vadd.f32 v23, v13;
	v21 =	vld [tilespmem:s3+$0x4EB0]  }
0x1fd: {  	v6 =	vand.u32 $0xFFFF0000, v9;
	v13 =	vadd.f32 v10, v14;
	v10 =	vadd.f32 v11, v18;
	v18 =	vld [tilespmem:s3+$0x75C0]  }
0x1fe: {  	v23 =	vand.u32 $0xFFFF0000, v8;
	v8 =	vshll.u32 v8, $0x10;
	v11 =	vadd.f32 v20, v19;
	v19 =	vld [tilespmem:s3+$0x9CD0]  }
0x1ff: {  	v17 =	vand.u32 $0xFFFF0000, v16;
	v14 =	vadd.f32 v23, v22;
	v8 =	vadd.f32 v8, v24;
	v20 =	vld [tilespmem:s3+$0xEB00]  }
0x200: {  	s20 =	simm.s32 $0x100;
	v9 =	vshll.u32 v16, $0x10;
	v16 =	vld [tilespmem:s3+$0xEB10];
	v6 =	vadd.f32 v6, v4;
	v4 =	vadd.f32 v26, v25  }
.LBB2_14:
0x201: {  	s21 =	sshra.s32 s20, $0x2;
	s0 =	sadd.s32 $0x40, s0;
	v22 =	vld [tilespmem:s3+$0xEB20];
	v17 =	vadd.f32 v17, v21  }
0x202: {  	v21 =	vld [tilespmem:s21+$0x2740];
	p0 =	slt.u32 s0, $0x26C0;
	v9 =	vadd.f32 v9, v18  }
0x203: {  	v18 =	vld [tilespmem:s21+$0xC3E0];
	v17 =	vmul.f32 v17, v1;
	v19 =	vadd.f32 v2, v19  }
0x204: {  	v23 =	vld [tilespmem:s21+$0x0];
	v2 =	vmul.f32 v3, v20;
	v3 =	vmul.f32 v5, v20  }
0x205: {  	v7 =	vmul.f32 v7, v20;
	v12 =	vmul.f32 v12, v20;
	v5 =	vld [tilespmem:s21+$0xEB30];
	[tilespmem:s3+$0x4EB0] =	vst v17  }
0x206: {  	v13 =	vmul.f32 v13, v16;
	v15 =	vmul.f32 v15, v16;
	v17 =	vld [tilespmem:s21+$0x2710];
	[tilespmem:s3+$0x4E80] =	vst v2  }
0x207: {  	v20 =	vld [tilespmem:s21+$0x10];
	v2 =	vand.u32 $0xFFFF0000, v21;
	v21 =	vshll.u32 v21, $0x10;
	[tilespmem:s3+$0x7590] =	vst v3;
	v3 =	vmul.f32 v10, v16  }
0x208: {  	v10 =	vld [tilespmem:s21+$0x2720];
	v18 =	vadd.f32 v21, v18;
	[tilespmem:s3+$0x9CA0] =	vst v7;
	v7 =	vmul.f32 v11, v16;
	v11 =	vmul.f32 v14, v22  }
0x209: {  	v8 =	vmul.f32 v8, v22;
	v14 =	vand.u32 $0xFFFF0000, v23;
	v16 =	vshll.u32 v23, $0x10;
	v21 =	vld [tilespmem:s21+$0x20];
	[tilespmem:s3+$0xC3B0] =	vst v12  }
0x20a: {  	v6 =	vmul.f32 v6, v22;
	v12 =	vld [tilespmem:s21+$0x2730];
	v18 =	vmul.f32 v18, v5;
	[tilespmem:s3+$0x4E90] =	vst v13  }
0x20b: {  	v4 =	vmul.f32 v4, v22;
	v13 =	vand.u32 $0xFFFF0000, v17;
	v23 =	vshll.u32 v17, $0x10;
	v24 =	vld [tilespmem:s21+$0x30];
	[tilespmem:s3+$0x75A0] =	vst v15  }
0x20c: {  	v15 =	vld [tilespmem:s21+$0x4E80];
	v22 =	vand.u32 $0xFFFF0000, v20;
	v20 =	vshll.u32 v20, $0x10;
	[tilespmem:s21+$0xC3E0] =	vst v18;
	v18 =	vmul.f32 v9, v1  }
0x20d: {  	v25 =	vld [tilespmem:s21+$0x7590];
	v26 =	vand.u32 $0xFFFF0000, v10;
	v27 =	vshll.u32 v10, $0x10;
	[tilespmem:s3+$0x9CB0] =	vst v3;
	v10 =	vmul.f32 v19, v1;
	v1 =	vmovc v5  }
0x20e: {  	v19 =	vld [tilespmem:s21+$0x9CA0];
	v28 =	vand.u32 $0xFFFF0000, v21;
	v29 =	vshll.u32 v21, $0x10;
	[tilespmem:s3+$0xC3C0] =	vst v7  }
0x20f: {  	v21 =	vld [tilespmem:s21+$0xC3B0];
	v30 =	vand.u32 $0xFFFF0000, v12;
	v31 =	vshll.u32 v12, $0x10;
	[tilespmem:s3+$0x4EA0] =	vst v11  }
0x210: {  	v11 =	vld [tilespmem:s21+$0x4E90];
	v17 =	vand.u32 $0xFFFF0000, v24;
	v9 =	vshll.u32 v24, $0x10;
	[tilespmem:s3+$0x75B0] =	vst v8  }
0x211: {  	v3 =	vadd.f32 v14, v15;
	v8 =	vld [tilespmem:s21+$0x75A0];
	[tilespmem:s3+$0x9CC0] =	vst v6  }
0x212: {  	v5 =	vadd.f32 v16, v25;
	v6 =	vld [tilespmem:s21+$0x9CB0];
	[tilespmem:s3+$0xC3D0] =	vst v4  }
0x213: {  	v7 =	vadd.f32 v13, v19;
	v4 =	vld [tilespmem:s21+$0xC3C0];
	[tilespmem:s3+$0x75C0] =	vst v18  }
0x214: {  	v12 =	vadd.f32 v23, v21;
	v14 =	vld [tilespmem:s21+$0x4EA0];
	[tilespmem:s3+$0x9CD0] =	vst v10;
	s3 =	smov.u32 s21  }
0x215: {  	v13 =	vadd.f32 v22, v11;
	v16 =	vld [tilespmem:s3+$0x75B0]  }
0x216: {  	v15 =	vadd.f32 v20, v8;
	v22 =	vld [tilespmem:s3+$0x9CC0]  }
0x217: {  	v10 =	vadd.f32 v26, v6;
	v23 =	vld [tilespmem:s3+$0xC3D0]  }
.Ltmp6:
0x218: {  	v11 =	vadd.f32 v27, v4;
	v21 =	vld [tilespmem:s3+$0x4EB0];
	(pc) =	sbr.rel @p0 .LBB2_14-.Ltmp6, $4  }
0x219: {  	v14 =	vadd.f32 v28, v14;
	v18 =	vld [tilespmem:s3+$0x75C0]  }
0x21a: {  	v8 =	vadd.f32 v29, v16;
	v19 =	vld [tilespmem:s3+$0x9CD0]  }
0x21b: {  	v20 =	vld [tilespmem:s3+$0xEB00];
	v6 =	vadd.f32 v30, v22  }
0x21c: {  	s20 =	sadd.s32 $0x100, s20;
	v16 =	vld [tilespmem:s3+$0xEB10];
	v4 =	vadd.f32 v31, v23  }
0x21d: {  	v17 =	vadd.f32 v17, v21;
	_ =	sdelay $0x1  }
0x21e: {  	v17 =	vmul.f32 v17, v1  }
0x21f: {  	v3 =	vmul.f32 v3, v20  }
0x220: {  	v5 =	vmul.f32 v5, v20;
	[tilespmem:s3+$0x4EB0] =	vst v17  }
0x221: {  	v59 =	vadd.f32 v9, v18;
	v7 =	vmul.f32 v7, v20;
	[tilespmem:s3+$0x4E80] =	vst v3  }
0x222: {  	v12 =	vmul.f32 v12, v20;
	[tilespmem:s3+$0x7590] =	vst v5  }
0x223: {  	v60 =	vmul.f32 v59, v1;
	[tilespmem:s3+$0x9CA0] =	vst v7  }
0x224: {  	v55 =	vmul.f32 v13, v16;
	v3 =	vld [tilespmem:s3+$0xEB20];
	[tilespmem:s3+$0xC3B0] =	vst v12  }
0x225: {  	v56 =	vmul.f32 v15, v16;
	[tilespmem:s3+$0x75C0] =	vst v60  }
0x226: {  	v2 =	vadd.f32 v2, v19;
	v10 =	vmul.f32 v10, v16;
	[tilespmem:s3+$0x4E90] =	vst v55  }
0x227: {  	v57 =	vmul.f32 v11, v16;
	[tilespmem:s3+$0x75A0] =	vst v56  }
0x228: {  	v1 =	vmul.f32 v2, v1;
	[tilespmem:s3+$0x9CB0] =	vst v10  }
0x229: {  	[tilespmem:s3+$0xC3C0] =	vst v57;
	v58 =	vmul.f32 v14, v3  }
0x22a: {  	[tilespmem:s3+$0x9CD0] =	vst v1;
	v8 =	vmul.f32 v8, v3  }
0x22b: {  	v6 =	vmul.f32 v6, v3;
	[tilespmem:s3+$0x4EA0] =	vst v58  }
0x22c: {  	v3 =	vmul.f32 v4, v3;
	[tilespmem:s3+$0x75B0] =	vst v8  }
0x22d: {  	[tilespmem:s3+$0x9CC0] =	vst v6  }
0x22e: {  	[tilespmem:s3+$0xC3D0] =	vst v3  }
0x22f: {  	v1 =	vld [tilespmem:$0x11200]  }
0x230: {  	v2 =	vld [tilespmem:$0x2700]  }
0x231: {  	v3 =	vld [tilespmem:$0x7580]  }
0x232: {  	v4 =	vld [tilespmem:$0x9C90]  }
0x233: {  	v61 =	vld [tilespmem:$0x4E10]  }
0x234: {  	v6 =	vld [tilespmem:$0xC3A0]  }
0x235: {  	v7 =	vld [tilespmem:$0xEAB0]  }
0x236: {  	v62 =	vand.u32 $0xFFFF0000, v2  }
0x237: {  	v2 =	vshll.u32 v2, $0x10;
	v3 =	vadd.f32 v62, v3  }
0x238: {  	v63 =	vand.u32 $0xFFFF0000, v61;
	v2 =	vadd.f32 v2, v4  }
0x239: {  	v5 =	vshll.u32 v61, $0x10;
	v4 =	vadd.f32 v63, v6;
	v3 =	vmul.f32 v3, v1  }
0x23a: {  	v5 =	vadd.f32 v5, v7;
	v2 =	vmul.f32 v2, v1  }
0x23b: {  	[tilespmem:$0x7580] =	vst v3;
	v3 =	vmul.f32 v4, v1  }
0x23c: {  	[tilespmem:$0x9C90] =	vst v2;
	v1 =	vmul.f32 v5, v1  }
0x23d: {  	[tilespmem:$0xC3A0] =	vst v3  }
0x23e: {  	[tilespmem:$0xEAB0] =	vst v1  }
0x23f: {  	[hbm4b:s10+s2] =	stream.linear.scatter [tilespmem:s24], [sflag:$0x5], $0x2710, $0x38;
	[tilespmem:$0x18F80] =	vst v63  }
0x240: {  	_ =	swait.ge [sflag:s19], $0x2710  }
0x241: {  	[sflag:s19] =	ssyncset.done $0x0  }
0x242: {  	s0 =	simm.s32 $0x7590;
	[sflag:s19] =	ssyncadd.s32 $0xFFFFD8F0  }
0x243: {  	[hbm4b:s11+s2] =	stream.linear.scatter [tilespmem:s0], [sflag:$0x5], $0x2710, $0x38;
	[tilespmem:$0x18F80] =	vst v63  }
0x244: {  	_ =	swait.ge [sflag:s19], $0x2710  }
0x245: {  	[sflag:s19] =	ssyncset.done $0x0  }
0x246: {  	[sflag:s19] =	ssyncadd.s32 $0xFFFFD8F0  }
0x247: {  	[hbm4b:s12+s2] =	stream.linear.scatter [tilespmem:s29], [sflag:$0x5], $0x2710, $0x38;
	[tilespmem:$0x18F80] =	vst v63  }
0x248: {  	s31 =	sadd.s32 $0x1, s31;
	_ =	swait.ge [sflag:s19], $0x2710  }
0x249: {  	p0 =	sne.s32 s31, s14;
	[sflag:s19] =	ssyncset.done $0x0  }
.Ltmp7:
0x24a: {  	[sflag:s19] =	ssyncadd.s32 $0xFFFFD8F0;
	(pc) =	sbr.rel @p0 .LBB2_1-.Ltmp7, $4  }
0x24b: {  	[hbm4b:s13+s2] =	stream.linear.scatter [tilespmem:s30], [sflag:$0x5], $0x2710, $0x38;
	[tilespmem:$0x18F80] =	vst v63  }
0x24c: {  	_ =	swait.ge [sflag:s19], $0x2710  }
0x24d: {  	[sflag:s19] =	ssyncset.done $0x0  }
0x24e: {  	[sflag:s19] =	ssyncadd.s32 $0xFFFFD8F0  }
0x24f: {  	_ =	sfence.sel $0x180000  }
0x250: {  	[bflag:$0x0] =	sbarrier.arrive $0xFFFF  }
0x251: {  	_ =	strace $0x9000004A  }
0x252: {  	s0 =	stileid.u32;
	[bflag:$0x2] =	sbarrier.arrive $0xFFFF  }
0x253: {  	p0 =	sne.s32 s0, $0x0;
	s0 =	rddreg [dreg:$0x3]  }
0x254: {  	s0 =	sadd.s32 @!p0 $0x100000, s0  }
0x255: {  	[sflag:s0] =	ssyncadd.tile.s32 @!p0 $0x1;
	_ =	shalt  }
.Lfunc_end2:
_tile_overlayer_lowered:
.L_overlay_start_2:
0x256: {  	(tag) =	ssettag $0x2  }
0x257: {  	s0 =	rddreg [dreg:$0x0];
	s2 =	stileid.u32  }
0x258: {  	s1 =	rddreg [dreg:$0x1];
	p0 =	sne.s32 s2, $0x0  }
0x259: {  	s3 =	rddreg [dreg:$0x2];
	[bflag:$0x3] =	sbarrier.arrive $0xFFFF;
	s2 =	simm.s32 @!p0 $0x1C05  }
0x25a: {  	[timem:s3], [sflag:s2] =	dma.local @!p0 [hbm:s0], s1  }
0x25b: {  	s0 =	simm.s32 @!p0 $0x5  }
0x25c: {  	_ =	swait.ge @!p0 [sflag:s0], s1  }
0x25d: {  	s1 =	ssub.s32 @!p0 $0x0, s1;
	[sflag:s0] =	ssyncset.done @!p0 $0x0  }
0x25e: {  	[sflag:s0] =	ssyncadd.s32 @!p0 s1  }
0x25f: {  	[bflag:$0x3] =	sbarrier.arrive $0xFFFF  }
0x260: {  	_ =	shalt  }

// kernel: kernel.7.cloned.1.call-start
scs
__scs_entry_jumppad:
0x0: {  	(pc) =	sbr.rel $0x88, $3  }
0x1: {  	(tag) =	ssettag $0x0;
	lr =	simm.s32 $0x1  }
0x2: {  	[smem:$0x3F9C] =	sst lr;
	_ =	strace $0xD0000000  }
0x3: {  	_ = 	snop  }
0x4: {  	_ = 	snop  }
0x5: {  	_ = 	snop  }
0x6: {  	_ = 	snop  }
0x7: {  	_ = 	snop  }
__scs_overlays_trampoline_lowered:
0x8: {  	[smem:$0x3FAB] =	sst s0  }
0x9: {  	[smem:$0x3FAC] =	sst s1  }
0xa: {  	[smem:$0x3FAD] =	sst s2  }
0xb: {  	[smem:$0x3FAE] =	sst s3  }
0xc: {  	[smem:$0x3FAF] =	sst s4  }
0xd: {  	[smem:$0x3FB0] =	sst s5  }
0xe: {  	[smem:$0x3FB1] =	sst s6  }
0xf: {  	[smem:$0x3FB2] =	sst s7  }
0x10: {  	[smem:$0x3FB3] =	sst s8  }
0x11: {  	[smem:$0x3FB4] =	sst s9;
	s0 =	simm.s32 @!p0 $0x0  }
0x12: {  	s1 =	sld [smem:$0x3F9A];
	s0 =	simm.s32 @p0 $0x1  }
0x13: {  	[smem:$0x3FB5] =	sst s0;
	s0 =	simm.s32 @!p1 $0x0  }
0x14: {  	s2 =	sld [smem:$0x3F99];
	s0 =	simm.s32 @p1 $0x1  }
0x15: {  	[smem:$0x3FB6] =	sst s0;
	s0 =	simm.s32 @!p2 $0x0  }
0x16: {  	s3 =	sld [smem:$0x3FDB];
	s0 =	simm.s32 @p2 $0x1  }
0x17: {  	s4 =	simm.s32 $0x1BF5;
	[smem:$0x3FB8] =	sst s0  }
0x18: {  	s0 =	sld [smem:$0x3F9B];
	_ =	swait.ge [sflag:s4], $0x0  }
0x19: {  	s7 =	sld [smem:$0x3F9C]  }
0x1a: {  	s8 =	sadd.s32 $0xFFFFE003, lr  }
0x1b: {  	s9 =	sadd.s32 $0xFFFFFEF7, lr;
	s5 =	simm.s32 $0xFFFFFFFF;
	p2 =	slt.u32 s8, $0xFFFFF086  }
0x1c: {  	p1 =	slt.u32 s9, $0xF7A;
	s5 =	simm.s32 @!p2 $0x0  }
0x1d: {  	s5 =	simm.s32 @p1 $0x1;
	p0 =	seq.s32 s7, s2  }
0x1e: {  	s7 =	smul.u32 @!p0 $0xF7A, s2;
	p2 =	seq.s32 @!p0 s5, $0x0  }
0x1f: {  	s9 =	smul.u32 $0xF7A, s1;
	s8 =	simm.s32 @!p0 $0x1BF5;
	p2 =	por !p2, p0  }
0x20: {  	[sflag:s8] =	ssyncset.s32 @!p0 $0xFFFFF086;
	s6 =	sadd.s32 @!p0 s3, s7;
	s7 =	simm.s32 @!p0 $0x108  }
0x21: {  	s3 =	sadd.s32 s3, s9;
	s6 =	sadd.s32 @!p0 $0x88, s6;
	s7 =	simm.s32 @p2 $0x1082  }
0x22: {  	[simem:s7], [sflag:s8] =	dma.local @!p0 [hbm:s6], $0xF7A  }
0x23: {  	s9 =	sor.u32 $0xD0000000, s2;
	s6 =	simm.s32 $0x108;
	_ =	swait.ge @!p0 [sflag:s8], $0x0  }
0x24: {  	s3 =	sadd.s32 $0x88, s3;
	s6 =	simm.s32 @!p1 $0x1082;
	[sflag:s4] =	ssyncset.s32 $0xFFFFF086  }
0x25: {  	[simem:s6], [sflag:s4] =	dma.local [hbm:s3], $0xF7A  }
0x26: {  	[smem:$0x3F9C] =	sst s1;
	(tag) =	ssettag s2;
	_ =	strace s9  }
0x27: {  	s1 =	sld [smem:$0x3FAC]  }
0x28: {  	s2 =	sld [smem:$0x3FAD]  }
0x29: {  	s4 =	sld [smem:$0x3FAF]  }
0x2a: {  	p0 =	seq.s32 s5, $0x0;
	s5 =	sld [smem:$0x3FB0]  }
0x2b: {  	s6 =	sld [smem:$0x3FB1]  }
0x2c: {  	s7 =	sld [smem:$0x3FB2]  }
0x2d: {  	s3 =	simm.s32 $0x108;
	s8 =	sld [smem:$0x3FB3]  }
0x2e: {  	s3 =	simm.s32 @!p0 $0x1082;
	s9 =	sld [smem:$0x3FB4]  }
0x2f: {  	lr =	sadd.s32 s0, s3;
	s0 =	sld [smem:$0x3FAB]  }
0x30: {  	s3 =	sld [smem:$0x3FAE]  }
0x31: {  	[smem:$0x3FB7] =	sst s10  }
0x32: {  	s10 =	sld [smem:$0x3FB5];
	_ =	sdelay $0x3  }
0x33: {  	p0 =	seq.s32 s10, $0x1;
	s10 =	sld [smem:$0x3FB7];
	_ =	sdelay $0x3  }
0x34: {  	[smem:$0x3FB7] =	sst s10  }
0x35: {  	s10 =	sld [smem:$0x3FB6];
	_ =	sdelay $0x3  }
0x36: {  	p1 =	seq.s32 s10, $0x1;
	s10 =	sld [smem:$0x3FB7];
	_ =	sdelay $0x3  }
0x37: {  	[smem:$0x3FB7] =	sst s10  }
0x38: {  	s10 =	sld [smem:$0x3FB8]  }
0x39: {  	_ = 	snop;
	(pc) =	sbr.ind lr, $3  }
0x3a: {  	_ = 	snop  }
0x3b: {  	_ = 	snop  }
0x3c: {  	p2 =	seq.s32 s10, $0x1;
	s10 =	sld [smem:$0x3FB7]  }
0x3d: {  	_ =	shalt  }
0x3e: {  	_ =	shalt  }
0x3f: {  	_ =	shalt  }
0x40: {  	_ =	shalt  }
0x41: {  	_ =	shalt  }
0x42: {  	_ =	shalt  }
0x43: {  	_ =	shalt  }
0x44: {  	_ =	shalt  }
0x45: {  	_ =	shalt  }
0x46: {  	_ =	shalt  }
0x47: {  	_ =	shalt  }
0x48: {  	_ =	shalt  }
0x49: {  	_ =	shalt  }
0x4a: {  	_ =	shalt  }
0x4b: {  	_ =	shalt  }
0x4c: {  	_ =	shalt  }
0x4d: {  	_ =	shalt  }
0x4e: {  	_ =	shalt  }
0x4f: {  	_ =	shalt  }
0x50: {  	_ =	shalt  }
0x51: {  	_ =	shalt  }
0x52: {  	_ =	shalt  }
0x53: {  	_ =	shalt  }
0x54: {  	_ =	shalt  }
0x55: {  	_ =	shalt  }
0x56: {  	_ =	shalt  }
0x57: {  	_ =	shalt  }
0x58: {  	_ =	shalt  }
0x59: {  	_ =	shalt  }
0x5a: {  	_ =	shalt  }
0x5b: {  	_ =	shalt  }
0x5c: {  	_ =	shalt  }
0x5d: {  	_ =	shalt  }
0x5e: {  	_ =	shalt  }
0x5f: {  	_ =	shalt  }
0x60: {  	_ =	shalt  }
0x61: {  	_ =	shalt  }
0x62: {  	_ =	shalt  }
0x63: {  	_ =	shalt  }
0x64: {  	_ =	shalt  }
0x65: {  	_ =	shalt  }
0x66: {  	_ =	shalt  }
0x67: {  	_ =	shalt  }
0x68: {  	_ =	shalt  }
0x69: {  	_ =	shalt  }
0x6a: {  	_ =	shalt  }
0x6b: {  	_ =	shalt  }
0x6c: {  	_ =	shalt  }
0x6d: {  	_ =	shalt  }
0x6e: {  	_ =	shalt  }
0x6f: {  	_ =	shalt  }
0x70: {  	_ =	shalt  }
0x71: {  	_ =	shalt  }
0x72: {  	_ =	shalt  }
0x73: {  	_ =	shalt  }
0x74: {  	_ =	shalt  }
0x75: {  	_ =	shalt  }
0x76: {  	_ =	shalt  }
0x77: {  	_ =	shalt  }
0x78: {  	_ =	shalt  }
0x79: {  	_ =	shalt  }
0x7a: {  	_ =	shalt  }
0x7b: {  	_ =	shalt  }
0x7c: {  	_ =	shalt  }
0x7d: {  	_ =	shalt  }
0x7e: {  	_ =	shalt  }
0x7f: {  	_ =	shalt  }
0x80: {  	_ =	shalt  }
0x81: {  	_ =	shalt  }
0x82: {  	_ =	shalt  }
0x83: {  	_ =	shalt  }
0x84: {  	_ =	shalt  }
0x85: {  	_ =	shalt  }
0x86: {  	_ =	shalt  }
0x87: {  	_ =	shalt  }
.Lfunc_end0:
.L_simem_size_0:
called_computation_lowered:
.L_overlay_start_0:
0x88: {  	s2 =	sld [smem:$0x3FD9]  }
0x89: {  	s3 =	sld [smem:$0x3FFE];
	_ =	sdelay $0x1  }
0x8a: {  	s1 =	srdreg.scid  }
0x8b: {  	s0 =	sand.u32 $0x1, s1  }
0x8c: {  	s17 =	sshll.u32 s0, $0xA;
	s2 =	sadd.s32 s3, s2  }
0x8d: {  	s2 =	sadd.s32 s2, s17  }
0x8e: {  	[smem:$0x3FC3] =	sst s2  }
0x8f: {  	_ = 	snop  }
0x90: {  	s2 =	sld [smem:$0x3FC7]  }
0x91: {  	s18 =	sld [smem:$0x3FD0];
	(tm) =	ssettm $0x1  }
0x92: {  	s4 =	sld [smem:$0x3FFB];
	_ =	sdelay $0x3  }
0x93: {  	_ =	strace s4  }
0x94: {  	s4 =	sld [smem:$0x3FFC];
	_ =	sdelay $0x3  }
0x95: {  	_ =	strace s4  }
0x96: {  	s4 =	sld [smem:$0x3FFD];
	_ =	sdelay $0x3  }
0x97: {  	_ =	strace s4  }
0x98: {  	_ =	strace $0x8FFFFFFF  }
0x99: {  	s19 =	sld [smem:$0x3FDB];
	_ =	sdelay $0x1  }
0x9a: {  	s5 =	simm.s32 $_scs_section_size  }
0x9b: {  	s6 =	simm.s32 $_size__tile_overlayer_lowered;
	s7 =	simm.s32 $_tile_overlayer_lowered  }
0x9c: {  	s22 =	simm.s32 $0x1BFF;
	s21 =	sshll.u32 s7, $0x1;
	s4 =	sadd.s32 s5, s19  }
0x9d: {  	s8 =	simm.s32 $0x0;
	s20 =	sshll.u32 s6, $0x1;
	s6 =	sadd.s32 s21, s4  }
0x9e: {  	[timem:s8], [sflag:s22] =	dma.local [hbm:s6], s20  }
0x9f: {  	_ =	swait.ge [sflag:s22], s20  }
0xa0: {  	s5 =	ssub.s32 $0x0, s20;
	[sflag:s22] =	ssyncset.done $0x0  }
0xa1: {  	[sflag:s22] =	ssyncadd.s32 s5;
	_ =	sdelay $0x1  }
0xa2: {  	s23 =	simm.s32 $0x1B8B  }
0xa3: {  	_ =	swait.ge [sflag:s23], $0x1  }
0xa4: {  	[sflag:s23] =	ssyncset.done $0x0  }
0xa5: {  	s25 =	simm.s32 $0x1B8E;
	s24 =	sld [smem:$0x3FFE];
	[sflag:s23] =	ssyncadd.s32 $0xFFFFFFFF  }
0xa6: {  	s26 =	simm.s32 $execute0_lowered;
	[smem:$0x3FD2] =	sst s25  }
0xa7: {  	s6 =	sshll.u32 s26, $0x1;
	_ =	strace $0x80000046;
	[dreg:$0x1] =	wrdreg $0xFFFFFFFF  }
0xa8: {  	s28 =	simm.s32 $_size_execute0_lowered;
	s4 =	sadd.s32 s4, s6;
	[dreg:$0x0] =	wrdreg $0x0  }
0xa9: {  	s6 =	sshll.u32 s28, $0x1;
	[dreg:$0x2] =	wrdreg s4  }
0xaa: {  	[dreg:$0x3] =	wrdreg s6  }
0xab: {  	[dreg:$0x4] =	wrdreg $0xC0  }
0xac: {  	_ =	task [dreg:s8], $0x5FFFF  }
0xad: {  	[dreg:$0x1] =	wrdreg $0xFFFFFFFF  }
0xae: {  	[dreg:$0x0] =	wrdreg $0x60  }
0xaf: {  	[dreg:$0x2] =	wrdreg s18  }
0xb0: {  	[dreg:$0x3] =	wrdreg s2  }
0xb1: {  	[dreg:$0x4] =	wrdreg s24  }
0xb2: {  	[dreg:$0x5] =	wrdreg $0x9  }
0xb3: {  	_ =	task.clear_ibuf [dreg:s8], $0x6FFFF;
	_ =	strace $0x90000046  }
0xb4: {  	s29 =	simm.s32 $0x9;
	_ =	strace $0x80000048  }
0xb5: {  	_ =	swait.ge [sflag:s29], $0x1  }
0xb6: {  	[sflag:s29] =	ssyncadd.s32 $0xFFFFFFFF  }
0xb7: {  	_ =	strace $0x90000048  }
0xb8: {  	_ =	sfence  }
0xb9: {  	s30 =	sld [smem:$0x0];
	_ =	sdelay $0x2  }
0xba: {  	s31 =	sshll.u32 s1, $0xD;
	s1 =	sshrl.u32 s1, $0x2  }
0xbb: {  	s3 =	sand.u32 $0x4000, s31;
	s1 =	sadd.s32 s1, s30  }
0xbc: {  	s0 =	sor.u32 s3, s0;
	s1 =	sshll.u32 s1, $0x11  }
0xbd: {  	s0 =	sor.u32 s1, s0  }
0xbe: {  	s0 =	sadd.s32 $0x8F2B, s0  }
0xbf: {  	[sflag:s0] =	ssyncadd.remote.s32 $0x1  }
0xc0: {  	_ =	sfence.sel $0xFFFF  }
0xc1: {  	[dreg:$0x0] =	wrdreg $0xFFFFFFFF;
	(pc) =	sbr.abs _section_cstart, $3  }
0xc2: {  	[dreg:$0x1] =	wrdreg $0xFFFFFFFF  }
0xc3: {  	_ =	task.clear_ibuf [dreg:s8], $0x2FFFF;
	_ =	strace $0x9FFFFFFF  }
0xc4: {  	(tm) =	ssettm $0x7FFFFFFF  }
0xc5: {  	_ =	shalt  }
tec
execute0_lowered:
.L_overlay_start_1:
0x0: {  	(tag) =	ssettag $0x1  }
0x1: {  	s0 =	srdreg.scid;
	s3 =	rddreg [dreg:$0x0]  }
0x2: {  	s5 =	rddreg [dreg:$0x1];
	s4 =	sand.u32 $0x1, s0  }
0x3: {  	s6 =	rddreg [dreg:$0x2];
	s0 =	stileid.u32;
	s1 =	sshll.u32 s4, $0x4  }
0x4: {  	s2 =	simm.s32 $0x0;
	s9 =	simm.s32 $0x4F00;
	s7 =	sor.u32 s0, s1  }
0x5: {  	[smem:$0x7FF] =	sst s2;
	s4 =	ssub.s32 $0x2, s4;
	s7 =	smul.u32 $0x4E2, s7  }
0x6: {  	s10 =	simm.s32 $0x0;
	s1 =	rddreg [dreg:$0x3];
	s8 =	sshrl.u32 s4, $0x1  }
0x7: {  	_ =	strace $0x80000047;
	s8 =	ssub.s32 s4, s8;
	s6 =	sadd.s32 s7, s6  }
0x8: {  	s3 =	sadd.s32 s3, s7;
	s4 =	sadd.s32 s5, s7;
	s7 =	simm.s32 $0x1  }
0x9: {  	v0 =	vimm.f32 $0.0e+00;
	s5 =	sadd.s32 $0xA00, s6;
	s6 =	smax.u32 s8, $0x1;
	s8 =	simm.s32 $0x2780  }
.LBB2_1:
0xa: {  	[tilespmem:s2], [sflag:$0x1] =	stream.linear.gather [hbm4b:s3+s2], $0x2710, $0x38;
	[tilespmem:$0x7680] =	vst v63  }
0xb: {  	_ =	swait.ge [sflag:s7], $0x2710  }
0xc: {  	[sflag:s7] =	ssyncset.done $0x0  }
0xd: {  	[sflag:s7] =	ssyncadd.s32 $0xFFFFD8F0  }
0xe: {  	[tilespmem:s8], [sflag:$0x1] =	stream.linear.gather [hbm4b:s4+s2], $0x2710, $0x38;
	[tilespmem:$0x7680] =	vst v63  }
0xf: {  	_ =	swait.ge [sflag:s7], $0x2710  }
0x10: {  	[sflag:s7] =	ssyncset.done $0x0  }
0x11: {  	s11 =	simm.s32 $0x0;
	[sflag:s7] =	ssyncadd.s32 $0xFFFFD8F0  }
.LBB2_2:
0x12: {  	p0 =	sne.s32 s11, $0x9C00  }
.Ltmp0:
0x13: {  	_ = 	snop;
	(pc) =	sbr.rel @p0 .LBB2_2-.Ltmp0, $3  }
0x14: {  	_ =	sdelay $0x1  }
0x15: {  	s12 =	sshra.s32 s11, $0x2  }
0x16: {  	s11 =	sadd.s32 $0x40, s11;
	[tilespmem:s12+$0x4F00] =	vst v0  }
0x17: {  	s12 =	simm.s32 $0x20  }
0x18: {  	v5 =	vld [tilespmem:s12+$0x10]  }
0x19: {  	v6 =	vld [tilespmem:s12+$0xFFFFFFF0]  }
0x1a: {  	s11 =	simm.s32 $0x27A0;
	v1 =	vld [tilespmem:s12+$0x0]  }
0x1b: {  	v7 =	vld [tilespmem:s11+$0x10]  }
0x1c: {  	v8 =	vld [tilespmem:s11+$0xFFFFFFF0]  }
0x1d: {  	v4 =	vld [tilespmem:s11+$0x0]  }
0x1e: {  	v2 =	vld [tilespmem:s12+$0xFFFFFFE0]  }
0x1f: {  	v3 =	vld [tilespmem:s11+$0xFFFFFFE0]  }
0x20: {  	[tilespmem:v5+s9+$0x0] =	vst.idx.add.f32.msk $0xffff, v7  }
0x21: {  	s13 =	simm.s32 $0x60;
	s12 =	simm.s32 $0x0;
	[tilespmem:v6+s9+$0x0] =	vst.idx.add.f32.msk $0xffff, v8  }
.LBB2_4:
0x22: {  	v5 =	vld [tilespmem:s13+$0x10];
	s12 =	sadd.s32 $0x40, s12;
	v6 =	vmov v4  }
0x23: {  	v7 =	vld [tilespmem:s13+$0xFFFFFFF0];
	p0 =	slt.u32 s12, $0x26C0  }
0x24: {  	s11 =	sadd.s32 $0x40, s11;
	v8 =	vld [tilespmem:s13+$0x0]  }
0x25: {  	v9 =	vld [tilespmem:s11+$0x10]  }
0x26: {  	v10 =	vld [tilespmem:s13+$0xFFFFFFE0]  }
0x27: {  	v11 =	vld [tilespmem:s11+$0xFFFFFFE0]  }
0x28: {  	v12 =	vld [tilespmem:s11+$0xFFFFFFF0]  }
.Ltmp1:
0x29: {  	v4 =	vld [tilespmem:s11+$0x0];
	(pc) =	sbr.rel @p0 .LBB2_4-.Ltmp1, $4  }
0x2a: {  	[tilespmem:v5+s9+$0x0] =	vst.idx.add.f32.msk $0xffff, v9  }
0x2b: {  	[tilespmem:v2+s9+$0x0] =	vst.idx.add.f32.msk $0xffff, v3;
	v2 =	vmov v10  }
0x2c: {  	[tilespmem:v1+s9+$0x0] =	vst.idx.add.f32.msk $0xffff, v6;
	v1 =	vmov v8;
	v3 =	vmov v11  }
0x2d: {  	s13 =	sadd.s32 $0x40, s13;
	[tilespmem:v7+s9+$0x0] =	vst.idx.add.f32.msk $0xffff, v12  }
0x2e: {  	_ =	sdelay $0x3  }
0x2f: {  	[tilespmem:v2+s9+$0x0] =	vst.idx.add.f32.msk $0xffff, v3  }
0x30: {  	[tilespmem:v1+s9+$0x0] =	vst.idx.add.f32.msk $0xffff, v4  }
0x31: {  	v1 =	vld [tilespmem:$0x2700];
	_ =	sdelay $0x2  }
0x32: {  	v2 =	vld [tilespmem:$0x4E80];
	_ =	sdelay $0x2  }
0x33: {  	s10 =	sadd.s32 $0x1, s10  }
0x34: {  	p0 =	sne.s32 s10, s6  }
.Ltmp2:
0x35: {  	[tilespmem:v1+s9+$0x0] =	vst.idx.add.f32.msk $0xffff, v2;
	(pc) =	sbr.rel @p0 .LBB2_1-.Ltmp2, $4  }
0x36: {  	[hbm4b:s5+s2] =	stream.linear.scatter [tilespmem:s9], [sflag:$0x1], $0x2710, $0x38;
	[tilespmem:$0x7680] =	vst v63  }
0x37: {  	_ =	swait.ge [sflag:s7], $0x2710  }
0x38: {  	[sflag:s7] =	ssyncset.done $0x0  }
0x39: {  	[sflag:s7] =	ssyncadd.s32 $0xFFFFD8F0  }
0x3a: {  	_ =	sfence.sel $0x180000  }
0x3b: {  	[bflag:$0x0] =	sbarrier.arrive $0xFFFF  }
0x3c: {  	p0 =	sne.s32 s0, $0x0;
	_ =	strace $0x90000047  }
0x3d: {  	s0 =	sadd.s32 @!p0 $0x100000, s1;
	[bflag:$0x2] =	sbarrier.arrive $0xFFFF  }
0x3e: {  	[sflag:s0] =	ssyncadd.tile.s32 @!p0 $0x1;
	_ =	shalt  }
.Lfunc_end2:
_tile_overlayer_lowered:
.L_overlay_start_2:
0x3f: {  	(tag) =	ssettag $0x2  }
0x40: {  	s0 =	rddreg [dreg:$0x0];
	s2 =	stileid.u32  }
0x41: {  	s1 =	rddreg [dreg:$0x1];
	p0 =	sne.s32 s2, $0x0  }
0x42: {  	s3 =	rddreg [dreg:$0x2];
	[bflag:$0x3] =	sbarrier.arrive $0xFFFF;
	s2 =	simm.s32 @!p0 $0x1C01  }
0x43: {  	[timem:s3], [sflag:s2] =	dma.local @!p0 [hbm:s0], s1  }
0x44: {  	s0 =	simm.s32 @!p0 $0x1  }
0x45: {  	_ =	swait.ge @!p0 [sflag:s0], s1  }
0x46: {  	s1 =	ssub.s32 @!p0 $0x0, s1;
	[sflag:s0] =	ssyncset.done @!p0 $0x0  }
0x47: {  	[sflag:s0] =	ssyncadd.s32 @!p0 s1  }
0x48: {  	[bflag:$0x3] =	sbarrier.arrive $0xFFFF  }
0x49: {  	_ =	shalt  }

</sc_bundles>
